<compile_context>
chip_gen: v7x
topology: tpu7x:2x2x1
jax: 0.10.2.dev20260603
libtpu: 0.0.44.dev20260713+nightly
codegen_flags: <defaults>
</compile_context>

<pallas_src>
import functools

import jax
import jax.numpy as jnp
from jax import lax
from jax.experimental import pallas as pl
from jax.experimental.pallas import tpu as pltpu
from jax.experimental.pallas import tpu_sc as plsc

_PERIOD = 4
_START = 0
_NC = 2
_NS = 16
_NW = _NC * _NS

_CHUNK = 16
_NBUF = 3


@functools.partial(jax.jit, static_argnames=("tot_rows", "d", "nchunks"))
def _sc_decimate(x_flat, idx, tot_rows, d, nchunks):
    mesh = plsc.VectorSubcoreMesh(
        core_axis_name="c", subcore_axis_name="s",
        num_cores=_NC, num_subcores=_NS,
    )
    rows_per_w = tot_rows // _NW

    @functools.partial(
        pl.kernel,
        out_type=jax.ShapeDtypeStruct((tot_rows, d), jnp.float32),
        mesh=mesh,
        scratch_types=(
            [pltpu.VMEM((nchunks, _CHUNK), jnp.int32)]
            + [pltpu.VMEM((_CHUNK, d), jnp.float32) for _ in range(_NBUF)]
            + [pltpu.SemaphoreType.DMA((_NBUF,)),
               pltpu.SemaphoreType.DMA((_NBUF,))]
        ),
    )
    def run(x_hbm, idx_hbm, out_hbm, idx_v, *rest):
        bufs = rest[:_NBUF]
        gsems = [rest[_NBUF].at[i] for i in range(_NBUF)]
        ssems = [rest[_NBUF + 1].at[i] for i in range(_NBUF)]
        wid = lax.axis_index("s") * _NC + lax.axis_index("c")
        pltpu.sync_copy(idx_hbm.at[wid], idx_v)
        base = wid * rows_per_w

        gathers = [None] * nchunks
        scatters = [None] * nchunks
        for j in range(min(_NBUF, nchunks)):
            gathers[j] = pltpu.async_copy(
                x_hbm.at[idx_v.at[j]], bufs[j], gsems[j])
        for j in range(nchunks):
            if j >= 1:
                scatters[j - 1].wait()
                k = j + _NBUF - 1
                if k < nchunks:
                    gathers[k] = pltpu.async_copy(
                        x_hbm.at[idx_v.at[k]], bufs[k % _NBUF],
                        gsems[k % _NBUF])
            gathers[j].wait()
            scatters[j] = pltpu.async_copy(
                bufs[j % _NBUF], out_hbm.at[pl.ds(base + j * _CHUNK, _CHUNK)],
                ssems[j % _NBUF])
        scatters[nchunks - 1].wait()

    return run(x_flat, idx)


def kernel(x, dim):
    b, n, d = x.shape
    off = jnp.asarray(dim, dtype=jnp.int32) - 1
    r_out = (n - _START + _PERIOD - 1) // _PERIOD
    tot_rows = b * r_out
    idx = (
        (jnp.arange(b, dtype=jnp.int32) * n)[:, None]
        + (_START + off + _PERIOD * jnp.arange(r_out, dtype=jnp.int32))[None, :]
    )
    nchunks = tot_rows // _NW // _CHUNK
    idx = idx.reshape(_NW, nchunks, _CHUNK)
    x_flat = x.reshape(b * n, d)
    out_flat = _sc_decimate(x_flat, idx, tot_rows, d, nchunks)
    return out_flat.reshape(b, r_out, d)

# --- scband reference (transcript-rebuilt; emitter-appended) ---
"""Pipeline reference for scband-decimation-61211873903300 (READ-ONLY COPY).

The authoritative reference and input builder live on the scoring server;
editing this copy changes nothing except your own understanding.
"""

import jax, jax.numpy as jnp
import numpy as np

PERIOD = 4
START = 0

def setup_inputs(seed: int = 0) -> dict:
    key = jax.random.key(seed)
    x = jax.random.normal(key, (4, 8192, 2048), dtype=jnp.float32)
    return {"x": x, "dim": 1}

def reference(x, dim):
    axis = 1
    dim_offset = (jnp.asarray(dim, dtype=jnp.int32) - 1)
    indices = jnp.arange(START, x.shape[axis], PERIOD, dtype=jnp.int32) + dim_offset
    y = jnp.take(x, indices, axis=axis)
    return y

if __name__ == "__main__":
    import jax
    _d = setup_inputs()
    print(jax.jit(kernel)(*tuple(_d.values())))

</pallas_src>

<mosaic_0001>
#map = affine_map<(d0, d1) -> (0, 0)>
#map1 = affine_map<(d0, d1) -> (0, 0, 0)>
module attributes {stable_mosaic.version = 14 : i64} {
  func.func @run(%arg0: i32, %arg1: i32, %arg2: memref<32768x2048xf32, #tpu.memory_space<hbm>>, %arg3: memref<32x16x16xi32, #tpu.memory_space<hbm>>, %arg4: memref<8192x2048xf32, #tpu.memory_space<hbm>>, %arg5: memref<16x16xi32, #tpu.memory_space<vmem>>, %arg6: memref<16x2048xf32, #tpu.memory_space<vmem>>, %arg7: memref<16x2048xf32, #tpu.memory_space<vmem>>, %arg8: memref<16x2048xf32, #tpu.memory_space<vmem>>, %arg9: memref<3x!tpu.dma_semaphore, #tpu.memory_space<semaphore_mem>>, %arg10: memref<3x!tpu.dma_semaphore, #tpu.memory_space<semaphore_mem>>) attributes {dimension_semantics = [#tpu.dimension_semantics<core_parallel>, #tpu.dimension_semantics<subcore_parallel>], iteration_bounds = array<i64: 2, 16>, scalar_prefetch = 0 : i64, scratch_operands = 6 : i64, tpu.core_type = #tpu.core_type<sc_vector_subcore>, window_params = [{transform_indices = #map}, {transform_indices = #map1}, {transform_indices = #map}]} {
    %mul3A = arith.constant 2 : i32
    %mul3A_0 = arith.muli %arg1, %mul3A : i32
    %add3A = arith.addi %mul3A_0, %arg0 : i32
    "tpu.region"() ({
      %run_scoped3A = tpu.sem_alloc : memref<!tpu.dma_semaphore, #tpu.memory_space<semaphore_mem>>
      %dma_start3A_577 = arith.constant 0 : i32
      %dma_start3A_578 = arith.constant 0 : i32
      %dma_start3A_579 = tpu.memref_slice %arg3[%add3A, %dma_start3A_577, %dma_start3A_578] : memref<32x16x16xi32, #tpu.memory_space<hbm>> -> memref<1x16x16xi32, #tpu.memory_space<hbm>>
      %dma_start3A_580 = tpu.memref_squeeze %dma_start3A_579 : memref<1x16x16xi32, #tpu.memory_space<hbm>> -> memref<16x16xi32, #tpu.memory_space<hbm>>
      %dma_start3A_581 = arith.constant 0 : i32
      %dma_start3A_582 = arith.constant 0 : i32
      %dma_start3A_583 = tpu.memref_slice %arg3[%add3A, %dma_start3A_581, %dma_start3A_582] : memref<32x16x16xi32, #tpu.memory_space<hbm>> -> memref<1x16x16xi32, #tpu.memory_space<hbm>>
      %dma_start3A_584 = tpu.memref_squeeze %dma_start3A_583 : memref<1x16x16xi32, #tpu.memory_space<hbm>> -> memref<16x16xi32, #tpu.memory_space<hbm>>
      tpu.enqueue_dma source(%dma_start3A_584 : memref<16x16xi32, #tpu.memory_space<hbm>>) target(%arg5 : memref<16x16xi32, #tpu.memory_space<vmem>>) target_semaphore(%run_scoped3A : memref<!tpu.dma_semaphore, #tpu.memory_space<semaphore_mem>>)
      %dma_wait3A_585 = arith.constant 0 : i32
      %dma_wait3A_586 = arith.constant 0 : i32
      %dma_wait3A_587 = tpu.memref_slice %arg3[%add3A, %dma_wait3A_585, %dma_wait3A_586] : memref<32x16x16xi32, #tpu.memory_space<hbm>> -> memref<1x16x16xi32, #tpu.memory_space<hbm>>
      %dma_wait3A_588 = tpu.memref_squeeze %dma_wait3A_587 : memref<1x16x16xi32, #tpu.memory_space<hbm>> -> memref<16x16xi32, #tpu.memory_space<hbm>>
      %dma_wait3A_589 = arith.constant 0 : i32
      %dma_wait3A_590 = arith.constant 0 : i32
      %dma_wait3A_591 = tpu.memref_slice %arg3[%add3A, %dma_wait3A_589, %dma_wait3A_590] : memref<32x16x16xi32, #tpu.memory_space<hbm>> -> memref<1x16x16xi32, #tpu.memory_space<hbm>>
      %dma_wait3A_592 = tpu.memref_squeeze %dma_wait3A_591 : memref<1x16x16xi32, #tpu.memory_space<hbm>> -> memref<16x16xi32, #tpu.memory_space<hbm>>
      tpu.wait_dma2 semaphore(%run_scoped3A : memref<!tpu.dma_semaphore, #tpu.memory_space<semaphore_mem>>) src(%dma_wait3A_592 : memref<16x16xi32, #tpu.memory_space<hbm>>) dst(%arg5 : memref<16x16xi32, #tpu.memory_space<vmem>>)
      tpu.yield
    }) : () -> ()
    %mul3A_1 = arith.constant 256 : i32
    %mul3A_2 = arith.muli %add3A, %mul3A_1 : i32
    %dma_start3A = arith.constant 0 : i32
    %dma_start3A_3 = arith.constant 0 : i32
    %dma_start3A_4 = arith.constant 0 : i32
    %dma_start3A_5 = tpu.memref_slice %arg5[%dma_start3A, %dma_start3A_4] : memref<16x16xi32, #tpu.memory_space<vmem>> -> memref<1x16xi32, #tpu.memory_space<vmem>>
    %dma_start3A_6 = tpu.memref_squeeze %dma_start3A_5 : memref<1x16xi32, #tpu.memory_space<vmem>> -> memref<16xi32, #tpu.memory_space<vmem>>
    %dma_start3A_7 = arith.constant 0 : i32
    %dma_start3A_8 = arith.constant 0 : i32
    %dma_start3A_9 = tpu.memref_slice %arg2[%dma_start3A_7, %dma_start3A_8] : memref<32768x2048xf32, #tpu.memory_space<hbm>> -> memref<32768x2048xf32, #tpu.memory_space<hbm>>
    %dma_start3A_10 = tpu.memref_slice %arg9[%dma_start3A_3] : memref<3x!tpu.dma_semaphore, #tpu.memory_space<semaphore_mem>> -> memref<1x!tpu.dma_semaphore, #tpu.memory_space<semaphore_mem>>
    %dma_start3A_11 = tpu.memref_squeeze %dma_start3A_10 : memref<1x!tpu.dma_semaphore, #tpu.memory_space<semaphore_mem>> -> memref<!tpu.dma_semaphore, #tpu.memory_space<semaphore_mem>>
    tpu.enqueue_indirect_dma source(%dma_start3A_9 : memref<32768x2048xf32, #tpu.memory_space<hbm>>) target(%arg6 : memref<16x2048xf32, #tpu.memory_space<vmem>>) offsets(%dma_start3A_6 : memref<16xi32, #tpu.memory_space<vmem>>) semaphore(%dma_start3A_11 : memref<!tpu.dma_semaphore, #tpu.memory_space<semaphore_mem>>)
    %dma_start3A_12 = arith.constant 1 : i32
    %dma_start3A_13 = arith.constant 1 : i32
    %dma_start3A_14 = arith.constant 0 : i32
    %dma_start3A_15 = tpu.memref_slice %arg5[%dma_start3A_12, %dma_start3A_14] : memref<16x16xi32, #tpu.memory_space<vmem>> -> memref<1x16xi32, #tpu.memory_space<vmem>>
    %dma_start3A_16 = tpu.memref_squeeze %dma_start3A_15 : memref<1x16xi32, #tpu.memory_space<vmem>> -> memref<16xi32, #tpu.memory_space<vmem>>
    %dma_start3A_17 = arith.constant 0 : i32
    %dma_start3A_18 = arith.constant 0 : i32
    %dma_start3A_19 = tpu.memref_slice %arg2[%dma_start3A_17, %dma_start3A_18] : memref<32768x2048xf32, #tpu.memory_space<hbm>> -> memref<32768x2048xf32, #tpu.memory_space<hbm>>
    %dma_start3A_20 = tpu.memref_slice %arg9[%dma_start3A_13] : memref<3x!tpu.dma_semaphore, #tpu.memory_space<semaphore_mem>> -> memref<1x!tpu.dma_semaphore, #tpu.memory_space<semaphore_mem>>
    %dma_start3A_21 = tpu.memref_squeeze %dma_start3A_20 : memref<1x!tpu.dma_semaphore, #tpu.memory_space<semaphore_mem>> -> memref<!tpu.dma_semaphore, #tpu.memory_space<semaphore_mem>>
    tpu.enqueue_indirect_dma source(%dma_start3A_19 : memref<32768x2048xf32, #tpu.memory_space<hbm>>) target(%arg7 : memref<16x2048xf32, #tpu.memory_space<vmem>>) offsets(%dma_start3A_16 : memref<16xi32, #tpu.memory_space<vmem>>) semaphore(%dma_start3A_21 : memref<!tpu.dma_semaphore, #tpu.memory_space<semaphore_mem>>)
    %dma_start3A_22 = arith.constant 2 : i32
    %dma_start3A_23 = arith.constant 2 : i32
    %dma_start3A_24 = arith.constant 0 : i32
    %dma_start3A_25 = tpu.memref_slice %arg5[%dma_start3A_22, %dma_start3A_24] : memref<16x16xi32, #tpu.memory_space<vmem>> -> memref<1x16xi32, #tpu.memory_space<vmem>>
    %dma_start3A_26 = tpu.memref_squeeze %dma_start3A_25 : memref<1x16xi32, #tpu.memory_space<vmem>> -> memref<16xi32, #tpu.memory_space<vmem>>
    %dma_start3A_27 = arith.constant 0 : i32
    %dma_start3A_28 = arith.constant 0 : i32
    %dma_start3A_29 = tpu.memref_slice %arg2[%dma_start3A_27, %dma_start3A_28] : memref<32768x2048xf32, #tpu.memory_space<hbm>> -> memref<32768x2048xf32, #tpu.memory_space<hbm>>
    %dma_start3A_30 = tpu.memref_slice %arg9[%dma_start3A_23] : memref<3x!tpu.dma_semaphore, #tpu.memory_space<semaphore_mem>> -> memref<1x!tpu.dma_semaphore, #tpu.memory_space<semaphore_mem>>
    %dma_start3A_31 = tpu.memref_squeeze %dma_start3A_30 : memref<1x!tpu.dma_semaphore, #tpu.memory_space<semaphore_mem>> -> memref<!tpu.dma_semaphore, #tpu.memory_space<semaphore_mem>>
    tpu.enqueue_indirect_dma source(%dma_start3A_29 : memref<32768x2048xf32, #tpu.memory_space<hbm>>) target(%arg8 : memref<16x2048xf32, #tpu.memory_space<vmem>>) offsets(%dma_start3A_26 : memref<16xi32, #tpu.memory_space<vmem>>) semaphore(%dma_start3A_31 : memref<!tpu.dma_semaphore, #tpu.memory_space<semaphore_mem>>)
    %dma_wait3A = arith.constant 0 : i32
    %dma_wait3A_32 = arith.constant 0 : i32
    %dma_wait3A_33 = arith.constant 0 : i32
    %dma_wait3A_34 = tpu.memref_slice %arg5[%dma_wait3A, %dma_wait3A_33] : memref<16x16xi32, #tpu.memory_space<vmem>> -> memref<1x16xi32, #tpu.memory_space<vmem>>
    %dma_wait3A_35 = tpu.memref_squeeze %dma_wait3A_34 : memref<1x16xi32, #tpu.memory_space<vmem>> -> memref<16xi32, #tpu.memory_space<vmem>>
    %dma_wait3A_36 = arith.constant 0 : i32
    %dma_wait3A_37 = arith.constant 0 : i32
    %dma_wait3A_38 = tpu.memref_slice %arg2[%dma_wait3A_36, %dma_wait3A_37] : memref<32768x2048xf32, #tpu.memory_space<hbm>> -> memref<32768x2048xf32, #tpu.memory_space<hbm>>
    %dma_wait3A_39 = tpu.memref_slice %arg9[%dma_wait3A_32] : memref<3x!tpu.dma_semaphore, #tpu.memory_space<semaphore_mem>> -> memref<1x!tpu.dma_semaphore, #tpu.memory_space<semaphore_mem>>
    %dma_wait3A_40 = tpu.memref_squeeze %dma_wait3A_39 : memref<1x!tpu.dma_semaphore, #tpu.memory_space<semaphore_mem>> -> memref<!tpu.dma_semaphore, #tpu.memory_space<semaphore_mem>>
    tpu.wait_indirect_dma semaphore(%dma_wait3A_40 : memref<!tpu.dma_semaphore, #tpu.memory_space<semaphore_mem>>) src(%dma_wait3A_38 : memref<32768x2048xf32, #tpu.memory_space<hbm>>) dst(%arg6 : memref<16x2048xf32, #tpu.memory_space<vmem>>)
    %add3A_41 = arith.constant 0 : i32
    %add3A_42 = arith.addi %mul3A_2, %add3A_41 : i32
    %dma_start3A_43 = arith.constant 0 : i32
    %dma_start3A_44 = arith.constant 0 : i32
    %dma_start3A_45 = tpu.memref_slice %arg4[%add3A_42, %dma_start3A_44] : memref<8192x2048xf32, #tpu.memory_space<hbm>> -> memref<16x2048xf32, #tpu.memory_space<hbm>>
    %dma_start3A_46 = tpu.memref_slice %arg10[%dma_start3A_43] : memref<3x!tpu.dma_semaphore, #tpu.memory_space<semaphore_mem>> -> memref<1x!tpu.dma_semaphore, #tpu.memory_space<semaphore_mem>>
    %dma_start3A_47 = tpu.memref_squeeze %dma_start3A_46 : memref<1x!tpu.dma_semaphore, #tpu.memory_space<semaphore_mem>> -> memref<!tpu.dma_semaphore, #tpu.memory_space<semaphore_mem>>
    %dma_start3A_48 = arith.constant 0 : i32
    %dma_start3A_49 = tpu.memref_slice %arg4[%add3A_42, %dma_start3A_48] : memref<8192x2048xf32, #tpu.memory_space<hbm>> -> memref<16x2048xf32, #tpu.memory_space<hbm>>
    tpu.enqueue_dma source(%arg6 : memref<16x2048xf32, #tpu.memory_space<vmem>>) target(%dma_start3A_49 : memref<16x2048xf32, #tpu.memory_space<hbm>>) target_semaphore(%dma_start3A_47 : memref<!tpu.dma_semaphore, #tpu.memory_space<semaphore_mem>>)
    %dma_wait3A_50 = arith.constant 0 : i32
    %dma_wait3A_51 = arith.constant 0 : i32
    %dma_wait3A_52 = tpu.memref_slice %arg4[%add3A_42, %dma_wait3A_51] : memref<8192x2048xf32, #tpu.memory_space<hbm>> -> memref<16x2048xf32, #tpu.memory_space<hbm>>
    %dma_wait3A_53 = tpu.memref_slice %arg10[%dma_wait3A_50] : memref<3x!tpu.dma_semaphore, #tpu.memory_space<semaphore_mem>> -> memref<1x!tpu.dma_semaphore, #tpu.memory_space<semaphore_mem>>
    %dma_wait3A_54 = tpu.memref_squeeze %dma_wait3A_53 : memref<1x!tpu.dma_semaphore, #tpu.memory_space<semaphore_mem>> -> memref<!tpu.dma_semaphore, #tpu.memory_space<semaphore_mem>>
    %dma_wait3A_55 = arith.constant 0 : i32
    %dma_wait3A_56 = tpu.memref_slice %arg4[%add3A_42, %dma_wait3A_55] : memref<8192x2048xf32, #tpu.memory_space<hbm>> -> memref<16x2048xf32, #tpu.memory_space<hbm>>
    tpu.wait_dma2 semaphore(%dma_wait3A_54 : memref<!tpu.dma_semaphore, #tpu.memory_space<semaphore_mem>>) src(%arg6 : memref<16x2048xf32, #tpu.memory_space<vmem>>) dst(%dma_wait3A_56 : memref<16x2048xf32, #tpu.memory_space<hbm>>)
    %dma_start3A_57 = arith.constant 3 : i32
    %dma_start3A_58 = arith.constant 0 : i32
    %dma_start3A_59 = arith.constant 0 : i32
    %dma_start3A_60 = tpu.memref_slice %arg5[%dma_start3A_57, %dma_start3A_59] : memref<16x16xi32, #tpu.memory_space<vmem>> -> memref<1x16xi32, #tpu.memory_space<vmem>>
    %dma_start3A_61 = tpu.memref_squeeze %dma_start3A_60 : memref<1x16xi32, #tpu.memory_space<vmem>> -> memref<16xi32, #tpu.memory_space<vmem>>
    %dma_start3A_62 = arith.constant 0 : i32
    %dma_start3A_63 = arith.constant 0 : i32
    %dma_start3A_64 = tpu.memref_slice %arg2[%dma_start3A_62, %dma_start3A_63] : memref<32768x2048xf32, #tpu.memory_space<hbm>> -> memref<32768x2048xf32, #tpu.memory_space<hbm>>
    %dma_start3A_65 = tpu.memref_slice %arg9[%dma_start3A_58] : memref<3x!tpu.dma_semaphore, #tpu.memory_space<semaphore_mem>> -> memref<1x!tpu.dma_semaphore, #tpu.memory_space<semaphore_mem>>
    %dma_start3A_66 = tpu.memref_squeeze %dma_start3A_65 : memref<1x!tpu.dma_semaphore, #tpu.memory_space<semaphore_mem>> -> memref<!tpu.dma_semaphore, #tpu.memory_space<semaphore_mem>>
    tpu.enqueue_indirect_dma source(%dma_start3A_64 : memref<32768x2048xf32, #tpu.memory_space<hbm>>) target(%arg6 : memref<16x2048xf32, #tpu.memory_space<vmem>>) offsets(%dma_start3A_61 : memref<16xi32, #tpu.memory_space<vmem>>) semaphore(%dma_start3A_66 : memref<!tpu.dma_semaphore, #tpu.memory_space<semaphore_mem>>)
    %dma_wait3A_67 = arith.constant 1 : i32
    %dma_wait3A_68 = arith.constant 1 : i32
    %dma_wait3A_69 = arith.constant 0 : i32
    %dma_wait3A_70 = tpu.memref_slice %arg5[%dma_wait3A_67, %dma_wait3A_69] : memref<16x16xi32, #tpu.memory_space<vmem>> -> memref<1x16xi32, #tpu.memory_space<vmem>>
    %dma_wait3A_71 = tpu.memref_squeeze %dma_wait3A_70 : memref<1x16xi32, #tpu.memory_space<vmem>> -> memref<16xi32, #tpu.memory_space<vmem>>
    %dma_wait3A_72 = arith.constant 0 : i32
    %dma_wait3A_73 = arith.constant 0 : i32
    %dma_wait3A_74 = tpu.memref_slice %arg2[%dma_wait3A_72, %dma_wait3A_73] : memref<32768x2048xf32, #tpu.memory_space<hbm>> -> memref<32768x2048xf32, #tpu.memory_space<hbm>>
    %dma_wait3A_75 = tpu.memref_slice %arg9[%dma_wait3A_68] : memref<3x!tpu.dma_semaphore, #tpu.memory_space<semaphore_mem>> -> memref<1x!tpu.dma_semaphore, #tpu.memory_space<semaphore_mem>>
    %dma_wait3A_76 = tpu.memref_squeeze %dma_wait3A_75 : memref<1x!tpu.dma_semaphore, #tpu.memory_space<semaphore_mem>> -> memref<!tpu.dma_semaphore, #tpu.memory_space<semaphore_mem>>
    tpu.wait_indirect_dma semaphore(%dma_wait3A_76 : memref<!tpu.dma_semaphore, #tpu.memory_space<semaphore_mem>>) src(%dma_wait3A_74 : memref<32768x2048xf32, #tpu.memory_space<hbm>>) dst(%arg7 : memref<16x2048xf32, #tpu.memory_space<vmem>>)
    %add3A_77 = arith.constant 16 : i32
    %add3A_78 = arith.addi %mul3A_2, %add3A_77 : i32
    %dma_start3A_79 = arith.constant 1 : i32
    %dma_start3A_80 = arith.constant 0 : i32
    %dma_start3A_81 = tpu.memref_slice %arg4[%add3A_78, %dma_start3A_80] : memref<8192x2048xf32, #tpu.memory_space<hbm>> -> memref<16x2048xf32, #tpu.memory_space<hbm>>
    %dma_start3A_82 = tpu.memref_slice %arg10[%dma_start3A_79] : memref<3x!tpu.dma_semaphore, #tpu.memory_space<semaphore_mem>> -> memref<1x!tpu.dma_semaphore, #tpu.memory_space<semaphore_mem>>
    %dma_start3A_83 = tpu.memref_squeeze %dma_start3A_82 : memref<1x!tpu.dma_semaphore, #tpu.memory_space<semaphore_mem>> -> memref<!tpu.dma_semaphore, #tpu.memory_space<semaphore_mem>>
    %dma_start3A_84 = arith.constant 0 : i32
    %dma_start3A_85 = tpu.memref_slice %arg4[%add3A_78, %dma_start3A_84] : memref<8192x2048xf32, #tpu.memory_space<hbm>> -> memref<16x2048xf32, #tpu.memory_space<hbm>>
    tpu.enqueue_dma source(%arg7 : memref<16x2048xf32, #tpu.memory_space<vmem>>) target(%dma_start3A_85 : memref<16x2048xf32, #tpu.memory_space<hbm>>) target_semaphore(%dma_start3A_83 : memref<!tpu.dma_semaphore, #tpu.memory_space<semaphore_mem>>)
    %dma_wait3A_86 = arith.constant 1 : i32
    %dma_wait3A_87 = arith.constant 0 : i32
    %dma_wait3A_88 = tpu.memref_slice %arg4[%add3A_78, %dma_wait3A_87] : memref<8192x2048xf32, #tpu.memory_space<hbm>> -> memref<16x2048xf32, #tpu.memory_space<hbm>>
    %dma_wait3A_89 = tpu.memref_slice %arg10[%dma_wait3A_86] : memref<3x!tpu.dma_semaphore, #tpu.memory_space<semaphore_mem>> -> memref<1x!tpu.dma_semaphore, #tpu.memory_space<semaphore_mem>>
    %dma_wait3A_90 = tpu.memref_squeeze %dma_wait3A_89 : memref<1x!tpu.dma_semaphore, #tpu.memory_space<semaphore_mem>> -> memref<!tpu.dma_semaphore, #tpu.memory_space<semaphore_mem>>
    %dma_wait3A_91 = arith.constant 0 : i32
    %dma_wait3A_92 = tpu.memref_slice %arg4[%add3A_78, %dma_wait3A_91] : memref<8192x2048xf32, #tpu.memory_space<hbm>> -> memref<16x2048xf32, #tpu.memory_space<hbm>>
    tpu.wait_dma2 semaphore(%dma_wait3A_90 : memref<!tpu.dma_semaphore, #tpu.memory_space<semaphore_mem>>) src(%arg7 : memref<16x2048xf32, #tpu.memory_space<vmem>>) dst(%dma_wait3A_92 : memref<16x2048xf32, #tpu.memory_space<hbm>>)
    %dma_start3A_93 = arith.constant 4 : i32
    %dma_start3A_94 = arith.constant 1 : i32
    %dma_start3A_95 = arith.constant 0 : i32
    %dma_start3A_96 = tpu.memref_slice %arg5[%dma_start3A_93, %dma_start3A_95] : memref<16x16xi32, #tpu.memory_space<vmem>> -> memref<1x16xi32, #tpu.memory_space<vmem>>
    %dma_start3A_97 = tpu.memref_squeeze %dma_start3A_96 : memref<1x16xi32, #tpu.memory_space<vmem>> -> memref<16xi32, #tpu.memory_space<vmem>>
    %dma_start3A_98 = arith.constant 0 : i32
    %dma_start3A_99 = arith.constant 0 : i32
    %dma_start3A_100 = tpu.memref_slice %arg2[%dma_start3A_98, %dma_start3A_99] : memref<32768x2048xf32, #tpu.memory_space<hbm>> -> memref<32768x2048xf32, #tpu.memory_space<hbm>>
    %dma_start3A_101 = tpu.memref_slice %arg9[%dma_start3A_94] : memref<3x!tpu.dma_semaphore, #tpu.memory_space<semaphore_mem>> -> memref<1x!tpu.dma_semaphore, #tpu.memory_space<semaphore_mem>>
    %dma_start3A_102 = tpu.memref_squeeze %dma_start3A_101 : memref<1x!tpu.dma_semaphore, #tpu.memory_space<semaphore_mem>> -> memref<!tpu.dma_semaphore, #tpu.memory_space<semaphore_mem>>
    tpu.enqueue_indirect_dma source(%dma_start3A_100 : memref<32768x2048xf32, #tpu.memory_space<hbm>>) target(%arg7 : memref<16x2048xf32, #tpu.memory_space<vmem>>) offsets(%dma_start3A_97 : memref<16xi32, #tpu.memory_space<vmem>>) semaphore(%dma_start3A_102 : memref<!tpu.dma_semaphore, #tpu.memory_space<semaphore_mem>>)
    %dma_wait3A_103 = arith.constant 2 : i32
    %dma_wait3A_104 = arith.constant 2 : i32
    %dma_wait3A_105 = arith.constant 0 : i32
    %dma_wait3A_106 = tpu.memref_slice %arg5[%dma_wait3A_103, %dma_wait3A_105] : memref<16x16xi32, #tpu.memory_space<vmem>> -> memref<1x16xi32, #tpu.memory_space<vmem>>
    %dma_wait3A_107 = tpu.memref_squeeze %dma_wait3A_106 : memref<1x16xi32, #tpu.memory_space<vmem>> -> memref<16xi32, #tpu.memory_space<vmem>>
    %dma_wait3A_108 = arith.constant 0 : i32
    %dma_wait3A_109 = arith.constant 0 : i32
    %dma_wait3A_110 = tpu.memref_slice %arg2[%dma_wait3A_108, %dma_wait3A_109] : memref<32768x2048xf32, #tpu.memory_space<hbm>> -> memref<32768x2048xf32, #tpu.memory_space<hbm>>
    %dma_wait3A_111 = tpu.memref_slice %arg9[%dma_wait3A_104] : memref<3x!tpu.dma_semaphore, #tpu.memory_space<semaphore_mem>> -> memref<1x!tpu.dma_semaphore, #tpu.memory_space<semaphore_mem>>
    %dma_wait3A_112 = tpu.memref_squeeze %dma_wait3A_111 : memref<1x!tpu.dma_semaphore, #tpu.memory_space<semaphore_mem>> -> memref<!tpu.dma_semaphore, #tpu.memory_space<semaphore_mem>>
    tpu.wait_indirect_dma semaphore(%dma_wait3A_112 : memref<!tpu.dma_semaphore, #tpu.memory_space<semaphore_mem>>) src(%dma_wait3A_110 : memref<32768x2048xf32, #tpu.memory_space<hbm>>) dst(%arg8 : memref<16x2048xf32, #tpu.memory_space<vmem>>)
    %add3A_113 = arith.constant 32 : i32
    %add3A_114 = arith.addi %mul3A_2, %add3A_113 : i32
    %dma_start3A_115 = arith.constant 2 : i32
    %dma_start3A_116 = arith.constant 0 : i32
    %dma_start3A_117 = tpu.memref_slice %arg4[%add3A_114, %dma_start3A_116] : memref<8192x2048xf32, #tpu.memory_space<hbm>> -> memref<16x2048xf32, #tpu.memory_space<hbm>>
    %dma_start3A_118 = tpu.memref_slice %arg10[%dma_start3A_115] : memref<3x!tpu.dma_semaphore, #tpu.memory_space<semaphore_mem>> -> memref<1x!tpu.dma_semaphore, #tpu.memory_space<semaphore_mem>>
    %dma_start3A_119 = tpu.memref_squeeze %dma_start3A_118 : memref<1x!tpu.dma_semaphore, #tpu.memory_space<semaphore_mem>> -> memref<!tpu.dma_semaphore, #tpu.memory_space<semaphore_mem>>
    %dma_start3A_120 = arith.constant 0 : i32
    %dma_start3A_121 = tpu.memref_slice %arg4[%add3A_114, %dma_start3A_120] : memref<8192x2048xf32, #tpu.memory_space<hbm>> -> memref<16x2048xf32, #tpu.memory_space<hbm>>
    tpu.enqueue_dma source(%arg8 : memref<16x2048xf32, #tpu.memory_space<vmem>>) target(%dma_start3A_121 : memref<16x2048xf32, #tpu.memory_space<hbm>>) target_semaphore(%dma_start3A_119 : memref<!tpu.dma_semaphore, #tpu.memory_space<semaphore_mem>>)
    %dma_wait3A_122 = arith.constant 2 : i32
    %dma_wait3A_123 = arith.constant 0 : i32
    %dma_wait3A_124 = tpu.memref_slice %arg4[%add3A_114, %dma_wait3A_123] : memref<8192x2048xf32, #tpu.memory_space<hbm>> -> memref<16x2048xf32, #tpu.memory_space<hbm>>
    %dma_wait3A_125 = tpu.memref_slice %arg10[%dma_wait3A_122] : memref<3x!tpu.dma_semaphore, #tpu.memory_space<semaphore_mem>> -> memref<1x!tpu.dma_semaphore, #tpu.memory_space<semaphore_mem>>
    %dma_wait3A_126 = tpu.memref_squeeze %dma_wait3A_125 : memref<1x!tpu.dma_semaphore, #tpu.memory_space<semaphore_mem>> -> memref<!tpu.dma_semaphore, #tpu.memory_space<semaphore_mem>>
    %dma_wait3A_127 = arith.constant 0 : i32
    %dma_wait3A_128 = tpu.memref_slice %arg4[%add3A_114, %dma_wait3A_127] : memref<8192x2048xf32, #tpu.memory_space<hbm>> -> memref<16x2048xf32, #tpu.memory_space<hbm>>
    tpu.wait_dma2 semaphore(%dma_wait3A_126 : memref<!tpu.dma_semaphore, #tpu.memory_space<semaphore_mem>>) src(%arg8 : memref<16x2048xf32, #tpu.memory_space<vmem>>) dst(%dma_wait3A_128 : memref<16x2048xf32, #tpu.memory_space<hbm>>)
    %dma_start3A_129 = arith.constant 5 : i32
    %dma_start3A_130 = arith.constant 2 : i32
    %dma_start3A_131 = arith.constant 0 : i32
    %dma_start3A_132 = tpu.memref_slice %arg5[%dma_start3A_129, %dma_start3A_131] : memref<16x16xi32, #tpu.memory_space<vmem>> -> memref<1x16xi32, #tpu.memory_space<vmem>>
    %dma_start3A_133 = tpu.memref_squeeze %dma_start3A_132 : memref<1x16xi32, #tpu.memory_space<vmem>> -> memref<16xi32, #tpu.memory_space<vmem>>
    %dma_start3A_134 = arith.constant 0 : i32
    %dma_start3A_135 = arith.constant 0 : i32
    %dma_start3A_136 = tpu.memref_slice %arg2[%dma_start3A_134, %dma_start3A_135] : memref<32768x2048xf32, #tpu.memory_space<hbm>> -> memref<32768x2048xf32, #tpu.memory_space<hbm>>
    %dma_start3A_137 = tpu.memref_slice %arg9[%dma_start3A_130] : memref<3x!tpu.dma_semaphore, #tpu.memory_space<semaphore_mem>> -> memref<1x!tpu.dma_semaphore, #tpu.memory_space<semaphore_mem>>
    %dma_start3A_138 = tpu.memref_squeeze %dma_start3A_137 : memref<1x!tpu.dma_semaphore, #tpu.memory_space<semaphore_mem>> -> memref<!tpu.dma_semaphore, #tpu.memory_space<semaphore_mem>>
    tpu.enqueue_indirect_dma source(%dma_start3A_136 : memref<32768x2048xf32, #tpu.memory_space<hbm>>) target(%arg8 : memref<16x2048xf32, #tpu.memory_space<vmem>>) offsets(%dma_start3A_133 : memref<16xi32, #tpu.memory_space<vmem>>) semaphore(%dma_start3A_138 : memref<!tpu.dma_semaphore, #tpu.memory_space<semaphore_mem>>)
    %dma_wait3A_139 = arith.constant 3 : i32
    %dma_wait3A_140 = arith.constant 0 : i32
    %dma_wait3A_141 = arith.constant 0 : i32
    %dma_wait3A_142 = tpu.memref_slice %arg5[%dma_wait3A_139, %dma_wait3A_141] : memref<16x16xi32, #tpu.memory_space<vmem>> -> memref<1x16xi32, #tpu.memory_space<vmem>>
    %dma_wait3A_143 = tpu.memref_squeeze %dma_wait3A_142 : memref<1x16xi32, #tpu.memory_space<vmem>> -> memref<16xi32, #tpu.memory_space<vmem>>
    %dma_wait3A_144 = arith.constant 0 : i32
    %dma_wait3A_145 = arith.constant 0 : i32
    %dma_wait3A_146 = tpu.memref_slice %arg2[%dma_wait3A_144, %dma_wait3A_145] : memref<32768x2048xf32, #tpu.memory_space<hbm>> -> memref<32768x2048xf32, #tpu.memory_space<hbm>>
    %dma_wait3A_147 = tpu.memref_slice %arg9[%dma_wait3A_140] : memref<3x!tpu.dma_semaphore, #tpu.memory_space<semaphore_mem>> -> memref<1x!tpu.dma_semaphore, #tpu.memory_space<semaphore_mem>>
    %dma_wait3A_148 = tpu.memref_squeeze %dma_wait3A_147 : memref<1x!tpu.dma_semaphore, #tpu.memory_space<semaphore_mem>> -> memref<!tpu.dma_semaphore, #tpu.memory_space<semaphore_mem>>
    tpu.wait_indirect_dma semaphore(%dma_wait3A_148 : memref<!tpu.dma_semaphore, #tpu.memory_space<semaphore_mem>>) src(%dma_wait3A_146 : memref<32768x2048xf32, #tpu.memory_space<hbm>>) dst(%arg6 : memref<16x2048xf32, #tpu.memory_space<vmem>>)
    %add3A_149 = arith.constant 48 : i32
    %add3A_150 = arith.addi %mul3A_2, %add3A_149 : i32
    %dma_start3A_151 = arith.constant 0 : i32
    %dma_start3A_152 = arith.constant 0 : i32
    %dma_start3A_153 = tpu.memref_slice %arg4[%add3A_150, %dma_start3A_152] : memref<8192x2048xf32, #tpu.memory_space<hbm>> -> memref<16x2048xf32, #tpu.memory_space<hbm>>
    %dma_start3A_154 = tpu.memref_slice %arg10[%dma_start3A_151] : memref<3x!tpu.dma_semaphore, #tpu.memory_space<semaphore_mem>> -> memref<1x!tpu.dma_semaphore, #tpu.memory_space<semaphore_mem>>
    %dma_start3A_155 = tpu.memref_squeeze %dma_start3A_154 : memref<1x!tpu.dma_semaphore, #tpu.memory_space<semaphore_mem>> -> memref<!tpu.dma_semaphore, #tpu.memory_space<semaphore_mem>>
    %dma_start3A_156 = arith.constant 0 : i32
    %dma_start3A_157 = tpu.memref_slice %arg4[%add3A_150, %dma_start3A_156] : memref<8192x2048xf32, #tpu.memory_space<hbm>> -> memref<16x2048xf32, #tpu.memory_space<hbm>>
    tpu.enqueue_dma source(%arg6 : memref<16x2048xf32, #tpu.memory_space<vmem>>) target(%dma_start3A_157 : memref<16x2048xf32, #tpu.memory_space<hbm>>) target_semaphore(%dma_start3A_155 : memref<!tpu.dma_semaphore, #tpu.memory_space<semaphore_mem>>)
    %dma_wait3A_158 = arith.constant 0 : i32
    %dma_wait3A_159 = arith.constant 0 : i32
    %dma_wait3A_160 = tpu.memref_slice %arg4[%add3A_150, %dma_wait3A_159] : memref<8192x2048xf32, #tpu.memory_space<hbm>> -> memref<16x2048xf32, #tpu.memory_space<hbm>>
    %dma_wait3A_161 = tpu.memref_slice %arg10[%dma_wait3A_158] : memref<3x!tpu.dma_semaphore, #tpu.memory_space<semaphore_mem>> -> memref<1x!tpu.dma_semaphore, #tpu.memory_space<semaphore_mem>>
    %dma_wait3A_162 = tpu.memref_squeeze %dma_wait3A_161 : memref<1x!tpu.dma_semaphore, #tpu.memory_space<semaphore_mem>> -> memref<!tpu.dma_semaphore, #tpu.memory_space<semaphore_mem>>
    %dma_wait3A_163 = arith.constant 0 : i32
    %dma_wait3A_164 = tpu.memref_slice %arg4[%add3A_150, %dma_wait3A_163] : memref<8192x2048xf32, #tpu.memory_space<hbm>> -> memref<16x2048xf32, #tpu.memory_space<hbm>>
    tpu.wait_dma2 semaphore(%dma_wait3A_162 : memref<!tpu.dma_semaphore, #tpu.memory_space<semaphore_mem>>) src(%arg6 : memref<16x2048xf32, #tpu.memory_space<vmem>>) dst(%dma_wait3A_164 : memref<16x2048xf32, #tpu.memory_space<hbm>>)
    %dma_start3A_165 = arith.constant 6 : i32
    %dma_start3A_166 = arith.constant 0 : i32
    %dma_start3A_167 = arith.constant 0 : i32
    %dma_start3A_168 = tpu.memref_slice %arg5[%dma_start3A_165, %dma_start3A_167] : memref<16x16xi32, #tpu.memory_space<vmem>> -> memref<1x16xi32, #tpu.memory_space<vmem>>
    %dma_start3A_169 = tpu.memref_squeeze %dma_start3A_168 : memref<1x16xi32, #tpu.memory_space<vmem>> -> memref<16xi32, #tpu.memory_space<vmem>>
    %dma_start3A_170 = arith.constant 0 : i32
    %dma_start3A_171 = arith.constant 0 : i32
    %dma_start3A_172 = tpu.memref_slice %arg2[%dma_start3A_170, %dma_start3A_171] : memref<32768x2048xf32, #tpu.memory_space<hbm>> -> memref<32768x2048xf32, #tpu.memory_space<hbm>>
    %dma_start3A_173 = tpu.memref_slice %arg9[%dma_start3A_166] : memref<3x!tpu.dma_semaphore, #tpu.memory_space<semaphore_mem>> -> memref<1x!tpu.dma_semaphore, #tpu.memory_space<semaphore_mem>>
    %dma_start3A_174 = tpu.memref_squeeze %dma_start3A_173 : memref<1x!tpu.dma_semaphore, #tpu.memory_space<semaphore_mem>> -> memref<!tpu.dma_semaphore, #tpu.memory_space<semaphore_mem>>
    tpu.enqueue_indirect_dma source(%dma_start3A_172 : memref<32768x2048xf32, #tpu.memory_space<hbm>>) target(%arg6 : memref<16x2048xf32, #tpu.memory_space<vmem>>) offsets(%dma_start3A_169 : memref<16xi32, #tpu.memory_space<vmem>>) semaphore(%dma_start3A_174 : memref<!tpu.dma_semaphore, #tpu.memory_space<semaphore_mem>>)
    %dma_wait3A_175 = arith.constant 4 : i32
    %dma_wait3A_176 = arith.constant 1 : i32
    %dma_wait3A_177 = arith.constant 0 : i32
    %dma_wait3A_178 = tpu.memref_slice %arg5[%dma_wait3A_175, %dma_wait3A_177] : memref<16x16xi32, #tpu.memory_space<vmem>> -> memref<1x16xi32, #tpu.memory_space<vmem>>
    %dma_wait3A_179 = tpu.memref_squeeze %dma_wait3A_178 : memref<1x16xi32, #tpu.memory_space<vmem>> -> memref<16xi32, #tpu.memory_space<vmem>>
    %dma_wait3A_180 = arith.constant 0 : i32
    %dma_wait3A_181 = arith.constant 0 : i32
    %dma_wait3A_182 = tpu.memref_slice %arg2[%dma_wait3A_180, %dma_wait3A_181] : memref<32768x2048xf32, #tpu.memory_space<hbm>> -> memref<32768x2048xf32, #tpu.memory_space<hbm>>
    %dma_wait3A_183 = tpu.memref_slice %arg9[%dma_wait3A_176] : memref<3x!tpu.dma_semaphore, #tpu.memory_space<semaphore_mem>> -> memref<1x!tpu.dma_semaphore, #tpu.memory_space<semaphore_mem>>
    %dma_wait3A_184 = tpu.memref_squeeze %dma_wait3A_183 : memref<1x!tpu.dma_semaphore, #tpu.memory_space<semaphore_mem>> -> memref<!tpu.dma_semaphore, #tpu.memory_space<semaphore_mem>>
    tpu.wait_indirect_dma semaphore(%dma_wait3A_184 : memref<!tpu.dma_semaphore, #tpu.memory_space<semaphore_mem>>) src(%dma_wait3A_182 : memref<32768x2048xf32, #tpu.memory_space<hbm>>) dst(%arg7 : memref<16x2048xf32, #tpu.memory_space<vmem>>)
    %add3A_185 = arith.constant 64 : i32
    %add3A_186 = arith.addi %mul3A_2, %add3A_185 : i32
    %dma_start3A_187 = arith.constant 1 : i32
    %dma_start3A_188 = arith.constant 0 : i32
    %dma_start3A_189 = tpu.memref_slice %arg4[%add3A_186, %dma_start3A_188] : memref<8192x2048xf32, #tpu.memory_space<hbm>> -> memref<16x2048xf32, #tpu.memory_space<hbm>>
    %dma_start3A_190 = tpu.memref_slice %arg10[%dma_start3A_187] : memref<3x!tpu.dma_semaphore, #tpu.memory_space<semaphore_mem>> -> memref<1x!tpu.dma_semaphore, #tpu.memory_space<semaphore_mem>>
    %dma_start3A_191 = tpu.memref_squeeze %dma_start3A_190 : memref<1x!tpu.dma_semaphore, #tpu.memory_space<semaphore_mem>> -> memref<!tpu.dma_semaphore, #tpu.memory_space<semaphore_mem>>
    %dma_start3A_192 = arith.constant 0 : i32
    %dma_start3A_193 = tpu.memref_slice %arg4[%add3A_186, %dma_start3A_192] : memref<8192x2048xf32, #tpu.memory_space<hbm>> -> memref<16x2048xf32, #tpu.memory_space<hbm>>
    tpu.enqueue_dma source(%arg7 : memref<16x2048xf32, #tpu.memory_space<vmem>>) target(%dma_start3A_193 : memref<16x2048xf32, #tpu.memory_space<hbm>>) target_semaphore(%dma_start3A_191 : memref<!tpu.dma_semaphore, #tpu.memory_space<semaphore_mem>>)
    %dma_wait3A_194 = arith.constant 1 : i32
    %dma_wait3A_195 = arith.constant 0 : i32
    %dma_wait3A_196 = tpu.memref_slice %arg4[%add3A_186, %dma_wait3A_195] : memref<8192x2048xf32, #tpu.memory_space<hbm>> -> memref<16x2048xf32, #tpu.memory_space<hbm>>
    %dma_wait3A_197 = tpu.memref_slice %arg10[%dma_wait3A_194] : memref<3x!tpu.dma_semaphore, #tpu.memory_space<semaphore_mem>> -> memref<1x!tpu.dma_semaphore, #tpu.memory_space<semaphore_mem>>
    %dma_wait3A_198 = tpu.memref_squeeze %dma_wait3A_197 : memref<1x!tpu.dma_semaphore, #tpu.memory_space<semaphore_mem>> -> memref<!tpu.dma_semaphore, #tpu.memory_space<semaphore_mem>>
    %dma_wait3A_199 = arith.constant 0 : i32
    %dma_wait3A_200 = tpu.memref_slice %arg4[%add3A_186, %dma_wait3A_199] : memref<8192x2048xf32, #tpu.memory_space<hbm>> -> memref<16x2048xf32, #tpu.memory_space<hbm>>
    tpu.wait_dma2 semaphore(%dma_wait3A_198 : memref<!tpu.dma_semaphore, #tpu.memory_space<semaphore_mem>>) src(%arg7 : memref<16x2048xf32, #tpu.memory_space<vmem>>) dst(%dma_wait3A_200 : memref<16x2048xf32, #tpu.memory_space<hbm>>)
    %dma_start3A_201 = arith.constant 7 : i32
    %dma_start3A_202 = arith.constant 1 : i32
    %dma_start3A_203 = arith.constant 0 : i32
    %dma_start3A_204 = tpu.memref_slice %arg5[%dma_start3A_201, %dma_start3A_203] : memref<16x16xi32, #tpu.memory_space<vmem>> -> memref<1x16xi32, #tpu.memory_space<vmem>>
    %dma_start3A_205 = tpu.memref_squeeze %dma_start3A_204 : memref<1x16xi32, #tpu.memory_space<vmem>> -> memref<16xi32, #tpu.memory_space<vmem>>
    %dma_start3A_206 = arith.constant 0 : i32
    %dma_start3A_207 = arith.constant 0 : i32
    %dma_start3A_208 = tpu.memref_slice %arg2[%dma_start3A_206, %dma_start3A_207] : memref<32768x2048xf32, #tpu.memory_space<hbm>> -> memref<32768x2048xf32, #tpu.memory_space<hbm>>
    %dma_start3A_209 = tpu.memref_slice %arg9[%dma_start3A_202] : memref<3x!tpu.dma_semaphore, #tpu.memory_space<semaphore_mem>> -> memref<1x!tpu.dma_semaphore, #tpu.memory_space<semaphore_mem>>
    %dma_start3A_210 = tpu.memref_squeeze %dma_start3A_209 : memref<1x!tpu.dma_semaphore, #tpu.memory_space<semaphore_mem>> -> memref<!tpu.dma_semaphore, #tpu.memory_space<semaphore_mem>>
    tpu.enqueue_indirect_dma source(%dma_start3A_208 : memref<32768x2048xf32, #tpu.memory_space<hbm>>) target(%arg7 : memref<16x2048xf32, #tpu.memory_space<vmem>>) offsets(%dma_start3A_205 : memref<16xi32, #tpu.memory_space<vmem>>) semaphore(%dma_start3A_210 : memref<!tpu.dma_semaphore, #tpu.memory_space<semaphore_mem>>)
    %dma_wait3A_211 = arith.constant 5 : i32
    %dma_wait3A_212 = arith.constant 2 : i32
    %dma_wait3A_213 = arith.constant 0 : i32
    %dma_wait3A_214 = tpu.memref_slice %arg5[%dma_wait3A_211, %dma_wait3A_213] : memref<16x16xi32, #tpu.memory_space<vmem>> -> memref<1x16xi32, #tpu.memory_space<vmem>>
    %dma_wait3A_215 = tpu.memref_squeeze %dma_wait3A_214 : memref<1x16xi32, #tpu.memory_space<vmem>> -> memref<16xi32, #tpu.memory_space<vmem>>
    %dma_wait3A_216 = arith.constant 0 : i32
    %dma_wait3A_217 = arith.constant 0 : i32
    %dma_wait3A_218 = tpu.memref_slice %arg2[%dma_wait3A_216, %dma_wait3A_217] : memref<32768x2048xf32, #tpu.memory_space<hbm>> -> memref<32768x2048xf32, #tpu.memory_space<hbm>>
    %dma_wait3A_219 = tpu.memref_slice %arg9[%dma_wait3A_212] : memref<3x!tpu.dma_semaphore, #tpu.memory_space<semaphore_mem>> -> memref<1x!tpu.dma_semaphore, #tpu.memory_space<semaphore_mem>>
    %dma_wait3A_220 = tpu.memref_squeeze %dma_wait3A_219 : memref<1x!tpu.dma_semaphore, #tpu.memory_space<semaphore_mem>> -> memref<!tpu.dma_semaphore, #tpu.memory_space<semaphore_mem>>
    tpu.wait_indirect_dma semaphore(%dma_wait3A_220 : memref<!tpu.dma_semaphore, #tpu.memory_space<semaphore_mem>>) src(%dma_wait3A_218 : memref<32768x2048xf32, #tpu.memory_space<hbm>>) dst(%arg8 : memref<16x2048xf32, #tpu.memory_space<vmem>>)
    %add3A_221 = arith.constant 80 : i32
    %add3A_222 = arith.addi %mul3A_2, %add3A_221 : i32
    %dma_start3A_223 = arith.constant 2 : i32
    %dma_start3A_224 = arith.constant 0 : i32
    %dma_start3A_225 = tpu.memref_slice %arg4[%add3A_222, %dma_start3A_224] : memref<8192x2048xf32, #tpu.memory_space<hbm>> -> memref<16x2048xf32, #tpu.memory_space<hbm>>
    %dma_start3A_226 = tpu.memref_slice %arg10[%dma_start3A_223] : memref<3x!tpu.dma_semaphore, #tpu.memory_space<semaphore_mem>> -> memref<1x!tpu.dma_semaphore, #tpu.memory_space<semaphore_mem>>
    %dma_start3A_227 = tpu.memref_squeeze %dma_start3A_226 : memref<1x!tpu.dma_semaphore, #tpu.memory_space<semaphore_mem>> -> memref<!tpu.dma_semaphore, #tpu.memory_space<semaphore_mem>>
    %dma_start3A_228 = arith.constant 0 : i32
    %dma_start3A_229 = tpu.memref_slice %arg4[%add3A_222, %dma_start3A_228] : memref<8192x2048xf32, #tpu.memory_space<hbm>> -> memref<16x2048xf32, #tpu.memory_space<hbm>>
    tpu.enqueue_dma source(%arg8 : memref<16x2048xf32, #tpu.memory_space<vmem>>) target(%dma_start3A_229 : memref<16x2048xf32, #tpu.memory_space<hbm>>) target_semaphore(%dma_start3A_227 : memref<!tpu.dma_semaphore, #tpu.memory_space<semaphore_mem>>)
    %dma_wait3A_230 = arith.constant 2 : i32
    %dma_wait3A_231 = arith.constant 0 : i32
    %dma_wait3A_232 = tpu.memref_slice %arg4[%add3A_222, %dma_wait3A_231] : memref<8192x2048xf32, #tpu.memory_space<hbm>> -> memref<16x2048xf32, #tpu.memory_space<hbm>>
    %dma_wait3A_233 = tpu.memref_slice %arg10[%dma_wait3A_230] : memref<3x!tpu.dma_semaphore, #tpu.memory_space<semaphore_mem>> -> memref<1x!tpu.dma_semaphore, #tpu.memory_space<semaphore_mem>>
    %dma_wait3A_234 = tpu.memref_squeeze %dma_wait3A_233 : memref<1x!tpu.dma_semaphore, #tpu.memory_space<semaphore_mem>> -> memref<!tpu.dma_semaphore, #tpu.memory_space<semaphore_mem>>
    %dma_wait3A_235 = arith.constant 0 : i32
    %dma_wait3A_236 = tpu.memref_slice %arg4[%add3A_222, %dma_wait3A_235] : memref<8192x2048xf32, #tpu.memory_space<hbm>> -> memref<16x2048xf32, #tpu.memory_space<hbm>>
    tpu.wait_dma2 semaphore(%dma_wait3A_234 : memref<!tpu.dma_semaphore, #tpu.memory_space<semaphore_mem>>) src(%arg8 : memref<16x2048xf32, #tpu.memory_space<vmem>>) dst(%dma_wait3A_236 : memref<16x2048xf32, #tpu.memory_space<hbm>>)
    %dma_start3A_237 = arith.constant 8 : i32
    %dma_start3A_238 = arith.constant 2 : i32
    %dma_start3A_239 = arith.constant 0 : i32
    %dma_start3A_240 = tpu.memref_slice %arg5[%dma_start3A_237, %dma_start3A_239] : memref<16x16xi32, #tpu.memory_space<vmem>> -> memref<1x16xi32, #tpu.memory_space<vmem>>
    %dma_start3A_241 = tpu.memref_squeeze %dma_start3A_240 : memref<1x16xi32, #tpu.memory_space<vmem>> -> memref<16xi32, #tpu.memory_space<vmem>>
    %dma_start3A_242 = arith.constant 0 : i32
    %dma_start3A_243 = arith.constant 0 : i32
    %dma_start3A_244 = tpu.memref_slice %arg2[%dma_start3A_242, %dma_start3A_243] : memref<32768x2048xf32, #tpu.memory_space<hbm>> -> memref<32768x2048xf32, #tpu.memory_space<hbm>>
    %dma_start3A_245 = tpu.memref_slice %arg9[%dma_start3A_238] : memref<3x!tpu.dma_semaphore, #tpu.memory_space<semaphore_mem>> -> memref<1x!tpu.dma_semaphore, #tpu.memory_space<semaphore_mem>>
    %dma_start3A_246 = tpu.memref_squeeze %dma_start3A_245 : memref<1x!tpu.dma_semaphore, #tpu.memory_space<semaphore_mem>> -> memref<!tpu.dma_semaphore, #tpu.memory_space<semaphore_mem>>
    tpu.enqueue_indirect_dma source(%dma_start3A_244 : memref<32768x2048xf32, #tpu.memory_space<hbm>>) target(%arg8 : memref<16x2048xf32, #tpu.memory_space<vmem>>) offsets(%dma_start3A_241 : memref<16xi32, #tpu.memory_space<vmem>>) semaphore(%dma_start3A_246 : memref<!tpu.dma_semaphore, #tpu.memory_space<semaphore_mem>>)
    %dma_wait3A_247 = arith.constant 6 : i32
    %dma_wait3A_248 = arith.constant 0 : i32
    %dma_wait3A_249 = arith.constant 0 : i32
    %dma_wait3A_250 = tpu.memref_slice %arg5[%dma_wait3A_247, %dma_wait3A_249] : memref<16x16xi32, #tpu.memory_space<vmem>> -> memref<1x16xi32, #tpu.memory_space<vmem>>
    %dma_wait3A_251 = tpu.memref_squeeze %dma_wait3A_250 : memref<1x16xi32, #tpu.memory_space<vmem>> -> memref<16xi32, #tpu.memory_space<vmem>>
    %dma_wait3A_252 = arith.constant 0 : i32
    %dma_wait3A_253 = arith.constant 0 : i32
    %dma_wait3A_254 = tpu.memref_slice %arg2[%dma_wait3A_252, %dma_wait3A_253] : memref<32768x2048xf32, #tpu.memory_space<hbm>> -> memref<32768x2048xf32, #tpu.memory_space<hbm>>
    %dma_wait3A_255 = tpu.memref_slice %arg9[%dma_wait3A_248] : memref<3x!tpu.dma_semaphore, #tpu.memory_space<semaphore_mem>> -> memref<1x!tpu.dma_semaphore, #tpu.memory_space<semaphore_mem>>
    %dma_wait3A_256 = tpu.memref_squeeze %dma_wait3A_255 : memref<1x!tpu.dma_semaphore, #tpu.memory_space<semaphore_mem>> -> memref<!tpu.dma_semaphore, #tpu.memory_space<semaphore_mem>>
    tpu.wait_indirect_dma semaphore(%dma_wait3A_256 : memref<!tpu.dma_semaphore, #tpu.memory_space<semaphore_mem>>) src(%dma_wait3A_254 : memref<32768x2048xf32, #tpu.memory_space<hbm>>) dst(%arg6 : memref<16x2048xf32, #tpu.memory_space<vmem>>)
    %add3A_257 = arith.constant 96 : i32
    %add3A_258 = arith.addi %mul3A_2, %add3A_257 : i32
    %dma_start3A_259 = arith.constant 0 : i32
    %dma_start3A_260 = arith.constant 0 : i32
    %dma_start3A_261 = tpu.memref_slice %arg4[%add3A_258, %dma_start3A_260] : memref<8192x2048xf32, #tpu.memory_space<hbm>> -> memref<16x2048xf32, #tpu.memory_space<hbm>>
    %dma_start3A_262 = tpu.memref_slice %arg10[%dma_start3A_259] : memref<3x!tpu.dma_semaphore, #tpu.memory_space<semaphore_mem>> -> memref<1x!tpu.dma_semaphore, #tpu.memory_space<semaphore_mem>>
    %dma_start3A_263 = tpu.memref_squeeze %dma_start3A_262 : memref<1x!tpu.dma_semaphore, #tpu.memory_space<semaphore_mem>> -> memref<!tpu.dma_semaphore, #tpu.memory_space<semaphore_mem>>
    %dma_start3A_264 = arith.constant 0 : i32
    %dma_start3A_265 = tpu.memref_slice %arg4[%add3A_258, %dma_start3A_264] : memref<8192x2048xf32, #tpu.memory_space<hbm>> -> memref<16x2048xf32, #tpu.memory_space<hbm>>
    tpu.enqueue_dma source(%arg6 : memref<16x2048xf32, #tpu.memory_space<vmem>>) target(%dma_start3A_265 : memref<16x2048xf32, #tpu.memory_space<hbm>>) target_semaphore(%dma_start3A_263 : memref<!tpu.dma_semaphore, #tpu.memory_space<semaphore_mem>>)
    %dma_wait3A_266 = arith.constant 0 : i32
    %dma_wait3A_267 = arith.constant 0 : i32
    %dma_wait3A_268 = tpu.memref_slice %arg4[%add3A_258, %dma_wait3A_267] : memref<8192x2048xf32, #tpu.memory_space<hbm>> -> memref<16x2048xf32, #tpu.memory_space<hbm>>
    %dma_wait3A_269 = tpu.memref_slice %arg10[%dma_wait3A_266] : memref<3x!tpu.dma_semaphore, #tpu.memory_space<semaphore_mem>> -> memref<1x!tpu.dma_semaphore, #tpu.memory_space<semaphore_mem>>
    %dma_wait3A_270 = tpu.memref_squeeze %dma_wait3A_269 : memref<1x!tpu.dma_semaphore, #tpu.memory_space<semaphore_mem>> -> memref<!tpu.dma_semaphore, #tpu.memory_space<semaphore_mem>>
    %dma_wait3A_271 = arith.constant 0 : i32
    %dma_wait3A_272 = tpu.memref_slice %arg4[%add3A_258, %dma_wait3A_271] : memref<8192x2048xf32, #tpu.memory_space<hbm>> -> memref<16x2048xf32, #tpu.memory_space<hbm>>
    tpu.wait_dma2 semaphore(%dma_wait3A_270 : memref<!tpu.dma_semaphore, #tpu.memory_space<semaphore_mem>>) src(%arg6 : memref<16x2048xf32, #tpu.memory_space<vmem>>) dst(%dma_wait3A_272 : memref<16x2048xf32, #tpu.memory_space<hbm>>)
    %dma_start3A_273 = arith.constant 9 : i32
    %dma_start3A_274 = arith.constant 0 : i32
    %dma_start3A_275 = arith.constant 0 : i32
    %dma_start3A_276 = tpu.memref_slice %arg5[%dma_start3A_273, %dma_start3A_275] : memref<16x16xi32, #tpu.memory_space<vmem>> -> memref<1x16xi32, #tpu.memory_space<vmem>>
    %dma_start3A_277 = tpu.memref_squeeze %dma_start3A_276 : memref<1x16xi32, #tpu.memory_space<vmem>> -> memref<16xi32, #tpu.memory_space<vmem>>
    %dma_start3A_278 = arith.constant 0 : i32
    %dma_start3A_279 = arith.constant 0 : i32
    %dma_start3A_280 = tpu.memref_slice %arg2[%dma_start3A_278, %dma_start3A_279] : memref<32768x2048xf32, #tpu.memory_space<hbm>> -> memref<32768x2048xf32, #tpu.memory_space<hbm>>
    %dma_start3A_281 = tpu.memref_slice %arg9[%dma_start3A_274] : memref<3x!tpu.dma_semaphore, #tpu.memory_space<semaphore_mem>> -> memref<1x!tpu.dma_semaphore, #tpu.memory_space<semaphore_mem>>
    %dma_start3A_282 = tpu.memref_squeeze %dma_start3A_281 : memref<1x!tpu.dma_semaphore, #tpu.memory_space<semaphore_mem>> -> memref<!tpu.dma_semaphore, #tpu.memory_space<semaphore_mem>>
    tpu.enqueue_indirect_dma source(%dma_start3A_280 : memref<32768x2048xf32, #tpu.memory_space<hbm>>) target(%arg6 : memref<16x2048xf32, #tpu.memory_space<vmem>>) offsets(%dma_start3A_277 : memref<16xi32, #tpu.memory_space<vmem>>) semaphore(%dma_start3A_282 : memref<!tpu.dma_semaphore, #tpu.memory_space<semaphore_mem>>)
    %dma_wait3A_283 = arith.constant 7 : i32
    %dma_wait3A_284 = arith.constant 1 : i32
    %dma_wait3A_285 = arith.constant 0 : i32
    %dma_wait3A_286 = tpu.memref_slice %arg5[%dma_wait3A_283, %dma_wait3A_285] : memref<16x16xi32, #tpu.memory_space<vmem>> -> memref<1x16xi32, #tpu.memory_space<vmem>>
    %dma_wait3A_287 = tpu.memref_squeeze %dma_wait3A_286 : memref<1x16xi32, #tpu.memory_space<vmem>> -> memref<16xi32, #tpu.memory_space<vmem>>
    %dma_wait3A_288 = arith.constant 0 : i32
    %dma_wait3A_289 = arith.constant 0 : i32
    %dma_wait3A_290 = tpu.memref_slice %arg2[%dma_wait3A_288, %dma_wait3A_289] : memref<32768x2048xf32, #tpu.memory_space<hbm>> -> memref<32768x2048xf32, #tpu.memory_space<hbm>>
    %dma_wait3A_291 = tpu.memref_slice %arg9[%dma_wait3A_284] : memref<3x!tpu.dma_semaphore, #tpu.memory_space<semaphore_mem>> -> memref<1x!tpu.dma_semaphore, #tpu.memory_space<semaphore_mem>>
    %dma_wait3A_292 = tpu.memref_squeeze %dma_wait3A_291 : memref<1x!tpu.dma_semaphore, #tpu.memory_space<semaphore_mem>> -> memref<!tpu.dma_semaphore, #tpu.memory_space<semaphore_mem>>
    tpu.wait_indirect_dma semaphore(%dma_wait3A_292 : memref<!tpu.dma_semaphore, #tpu.memory_space<semaphore_mem>>) src(%dma_wait3A_290 : memref<32768x2048xf32, #tpu.memory_space<hbm>>) dst(%arg7 : memref<16x2048xf32, #tpu.memory_space<vmem>>)
    %add3A_293 = arith.constant 112 : i32
    %add3A_294 = arith.addi %mul3A_2, %add3A_293 : i32
    %dma_start3A_295 = arith.constant 1 : i32
    %dma_start3A_296 = arith.constant 0 : i32
    %dma_start3A_297 = tpu.memref_slice %arg4[%add3A_294, %dma_start3A_296] : memref<8192x2048xf32, #tpu.memory_space<hbm>> -> memref<16x2048xf32, #tpu.memory_space<hbm>>
    %dma_start3A_298 = tpu.memref_slice %arg10[%dma_start3A_295] : memref<3x!tpu.dma_semaphore, #tpu.memory_space<semaphore_mem>> -> memref<1x!tpu.dma_semaphore, #tpu.memory_space<semaphore_mem>>
    %dma_start3A_299 = tpu.memref_squeeze %dma_start3A_298 : memref<1x!tpu.dma_semaphore, #tpu.memory_space<semaphore_mem>> -> memref<!tpu.dma_semaphore, #tpu.memory_space<semaphore_mem>>
    %dma_start3A_300 = arith.constant 0 : i32
    %dma_start3A_301 = tpu.memref_slice %arg4[%add3A_294, %dma_start3A_300] : memref<8192x2048xf32, #tpu.memory_space<hbm>> -> memref<16x2048xf32, #tpu.memory_space<hbm>>
    tpu.enqueue_dma source(%arg7 : memref<16x2048xf32, #tpu.memory_space<vmem>>) target(%dma_start3A_301 : memref<16x2048xf32, #tpu.memory_space<hbm>>) target_semaphore(%dma_start3A_299 : memref<!tpu.dma_semaphore, #tpu.memory_space<semaphore_mem>>)
    %dma_wait3A_302 = arith.constant 1 : i32
    %dma_wait3A_303 = arith.constant 0 : i32
    %dma_wait3A_304 = tpu.memref_slice %arg4[%add3A_294, %dma_wait3A_303] : memref<8192x2048xf32, #tpu.memory_space<hbm>> -> memref<16x2048xf32, #tpu.memory_space<hbm>>
    %dma_wait3A_305 = tpu.memref_slice %arg10[%dma_wait3A_302] : memref<3x!tpu.dma_semaphore, #tpu.memory_space<semaphore_mem>> -> memref<1x!tpu.dma_semaphore, #tpu.memory_space<semaphore_mem>>
    %dma_wait3A_306 = tpu.memref_squeeze %dma_wait3A_305 : memref<1x!tpu.dma_semaphore, #tpu.memory_space<semaphore_mem>> -> memref<!tpu.dma_semaphore, #tpu.memory_space<semaphore_mem>>
    %dma_wait3A_307 = arith.constant 0 : i32
    %dma_wait3A_308 = tpu.memref_slice %arg4[%add3A_294, %dma_wait3A_307] : memref<8192x2048xf32, #tpu.memory_space<hbm>> -> memref<16x2048xf32, #tpu.memory_space<hbm>>
    tpu.wait_dma2 semaphore(%dma_wait3A_306 : memref<!tpu.dma_semaphore, #tpu.memory_space<semaphore_mem>>) src(%arg7 : memref<16x2048xf32, #tpu.memory_space<vmem>>) dst(%dma_wait3A_308 : memref<16x2048xf32, #tpu.memory_space<hbm>>)
    %dma_start3A_309 = arith.constant 10 : i32
    %dma_start3A_310 = arith.constant 1 : i32
    %dma_start3A_311 = arith.constant 0 : i32
    %dma_start3A_312 = tpu.memref_slice %arg5[%dma_start3A_309, %dma_start3A_311] : memref<16x16xi32, #tpu.memory_space<vmem>> -> memref<1x16xi32, #tpu.memory_space<vmem>>
    %dma_start3A_313 = tpu.memref_squeeze %dma_start3A_312 : memref<1x16xi32, #tpu.memory_space<vmem>> -> memref<16xi32, #tpu.memory_space<vmem>>
    %dma_start3A_314 = arith.constant 0 : i32
    %dma_start3A_315 = arith.constant 0 : i32
    %dma_start3A_316 = tpu.memref_slice %arg2[%dma_start3A_314, %dma_start3A_315] : memref<32768x2048xf32, #tpu.memory_space<hbm>> -> memref<32768x2048xf32, #tpu.memory_space<hbm>>
    %dma_start3A_317 = tpu.memref_slice %arg9[%dma_start3A_310] : memref<3x!tpu.dma_semaphore, #tpu.memory_space<semaphore_mem>> -> memref<1x!tpu.dma_semaphore, #tpu.memory_space<semaphore_mem>>
    %dma_start3A_318 = tpu.memref_squeeze %dma_start3A_317 : memref<1x!tpu.dma_semaphore, #tpu.memory_space<semaphore_mem>> -> memref<!tpu.dma_semaphore, #tpu.memory_space<semaphore_mem>>
    tpu.enqueue_indirect_dma source(%dma_start3A_316 : memref<32768x2048xf32, #tpu.memory_space<hbm>>) target(%arg7 : memref<16x2048xf32, #tpu.memory_space<vmem>>) offsets(%dma_start3A_313 : memref<16xi32, #tpu.memory_space<vmem>>) semaphore(%dma_start3A_318 : memref<!tpu.dma_semaphore, #tpu.memory_space<semaphore_mem>>)
    %dma_wait3A_319 = arith.constant 8 : i32
    %dma_wait3A_320 = arith.constant 2 : i32
    %dma_wait3A_321 = arith.constant 0 : i32
    %dma_wait3A_322 = tpu.memref_slice %arg5[%dma_wait3A_319, %dma_wait3A_321] : memref<16x16xi32, #tpu.memory_space<vmem>> -> memref<1x16xi32, #tpu.memory_space<vmem>>
    %dma_wait3A_323 = tpu.memref_squeeze %dma_wait3A_322 : memref<1x16xi32, #tpu.memory_space<vmem>> -> memref<16xi32, #tpu.memory_space<vmem>>
    %dma_wait3A_324 = arith.constant 0 : i32
    %dma_wait3A_325 = arith.constant 0 : i32
    %dma_wait3A_326 = tpu.memref_slice %arg2[%dma_wait3A_324, %dma_wait3A_325] : memref<32768x2048xf32, #tpu.memory_space<hbm>> -> memref<32768x2048xf32, #tpu.memory_space<hbm>>
    %dma_wait3A_327 = tpu.memref_slice %arg9[%dma_wait3A_320] : memref<3x!tpu.dma_semaphore, #tpu.memory_space<semaphore_mem>> -> memref<1x!tpu.dma_semaphore, #tpu.memory_space<semaphore_mem>>
    %dma_wait3A_328 = tpu.memref_squeeze %dma_wait3A_327 : memref<1x!tpu.dma_semaphore, #tpu.memory_space<semaphore_mem>> -> memref<!tpu.dma_semaphore, #tpu.memory_space<semaphore_mem>>
    tpu.wait_indirect_dma semaphore(%dma_wait3A_328 : memref<!tpu.dma_semaphore, #tpu.memory_space<semaphore_mem>>) src(%dma_wait3A_326 : memref<32768x2048xf32, #tpu.memory_space<hbm>>) dst(%arg8 : memref<16x2048xf32, #tpu.memory_space<vmem>>)
    %add3A_329 = arith.constant 128 : i32
    %add3A_330 = arith.addi %mul3A_2, %add3A_329 : i32
    %dma_start3A_331 = arith.constant 2 : i32
    %dma_start3A_332 = arith.constant 0 : i32
    %dma_start3A_333 = tpu.memref_slice %arg4[%add3A_330, %dma_start3A_332] : memref<8192x2048xf32, #tpu.memory_space<hbm>> -> memref<16x2048xf32, #tpu.memory_space<hbm>>
    %dma_start3A_334 = tpu.memref_slice %arg10[%dma_start3A_331] : memref<3x!tpu.dma_semaphore, #tpu.memory_space<semaphore_mem>> -> memref<1x!tpu.dma_semaphore, #tpu.memory_space<semaphore_mem>>
    %dma_start3A_335 = tpu.memref_squeeze %dma_start3A_334 : memref<1x!tpu.dma_semaphore, #tpu.memory_space<semaphore_mem>> -> memref<!tpu.dma_semaphore, #tpu.memory_space<semaphore_mem>>
    %dma_start3A_336 = arith.constant 0 : i32
    %dma_start3A_337 = tpu.memref_slice %arg4[%add3A_330, %dma_start3A_336] : memref<8192x2048xf32, #tpu.memory_space<hbm>> -> memref<16x2048xf32, #tpu.memory_space<hbm>>
    tpu.enqueue_dma source(%arg8 : memref<16x2048xf32, #tpu.memory_space<vmem>>) target(%dma_start3A_337 : memref<16x2048xf32, #tpu.memory_space<hbm>>) target_semaphore(%dma_start3A_335 : memref<!tpu.dma_semaphore, #tpu.memory_space<semaphore_mem>>)
    %dma_wait3A_338 = arith.constant 2 : i32
    %dma_wait3A_339 = arith.constant 0 : i32
    %dma_wait3A_340 = tpu.memref_slice %arg4[%add3A_330, %dma_wait3A_339] : memref<8192x2048xf32, #tpu.memory_space<hbm>> -> memref<16x2048xf32, #tpu.memory_space<hbm>>
    %dma_wait3A_341 = tpu.memref_slice %arg10[%dma_wait3A_338] : memref<3x!tpu.dma_semaphore, #tpu.memory_space<semaphore_mem>> -> memref<1x!tpu.dma_semaphore, #tpu.memory_space<semaphore_mem>>
    %dma_wait3A_342 = tpu.memref_squeeze %dma_wait3A_341 : memref<1x!tpu.dma_semaphore, #tpu.memory_space<semaphore_mem>> -> memref<!tpu.dma_semaphore, #tpu.memory_space<semaphore_mem>>
    %dma_wait3A_343 = arith.constant 0 : i32
    %dma_wait3A_344 = tpu.memref_slice %arg4[%add3A_330, %dma_wait3A_343] : memref<8192x2048xf32, #tpu.memory_space<hbm>> -> memref<16x2048xf32, #tpu.memory_space<hbm>>
    tpu.wait_dma2 semaphore(%dma_wait3A_342 : memref<!tpu.dma_semaphore, #tpu.memory_space<semaphore_mem>>) src(%arg8 : memref<16x2048xf32, #tpu.memory_space<vmem>>) dst(%dma_wait3A_344 : memref<16x2048xf32, #tpu.memory_space<hbm>>)
    %dma_start3A_345 = arith.constant 11 : i32
    %dma_start3A_346 = arith.constant 2 : i32
    %dma_start3A_347 = arith.constant 0 : i32
    %dma_start3A_348 = tpu.memref_slice %arg5[%dma_start3A_345, %dma_start3A_347] : memref<16x16xi32, #tpu.memory_space<vmem>> -> memref<1x16xi32, #tpu.memory_space<vmem>>
    %dma_start3A_349 = tpu.memref_squeeze %dma_start3A_348 : memref<1x16xi32, #tpu.memory_space<vmem>> -> memref<16xi32, #tpu.memory_space<vmem>>
    %dma_start3A_350 = arith.constant 0 : i32
    %dma_start3A_351 = arith.constant 0 : i32
    %dma_start3A_352 = tpu.memref_slice %arg2[%dma_start3A_350, %dma_start3A_351] : memref<32768x2048xf32, #tpu.memory_space<hbm>> -> memref<32768x2048xf32, #tpu.memory_space<hbm>>
    %dma_start3A_353 = tpu.memref_slice %arg9[%dma_start3A_346] : memref<3x!tpu.dma_semaphore, #tpu.memory_space<semaphore_mem>> -> memref<1x!tpu.dma_semaphore, #tpu.memory_space<semaphore_mem>>
    %dma_start3A_354 = tpu.memref_squeeze %dma_start3A_353 : memref<1x!tpu.dma_semaphore, #tpu.memory_space<semaphore_mem>> -> memref<!tpu.dma_semaphore, #tpu.memory_space<semaphore_mem>>
    tpu.enqueue_indirect_dma source(%dma_start3A_352 : memref<32768x2048xf32, #tpu.memory_space<hbm>>) target(%arg8 : memref<16x2048xf32, #tpu.memory_space<vmem>>) offsets(%dma_start3A_349 : memref<16xi32, #tpu.memory_space<vmem>>) semaphore(%dma_start3A_354 : memref<!tpu.dma_semaphore, #tpu.memory_space<semaphore_mem>>)
    %dma_wait3A_355 = arith.constant 9 : i32
    %dma_wait3A_356 = arith.constant 0 : i32
    %dma_wait3A_357 = arith.constant 0 : i32
    %dma_wait3A_358 = tpu.memref_slice %arg5[%dma_wait3A_355, %dma_wait3A_357] : memref<16x16xi32, #tpu.memory_space<vmem>> -> memref<1x16xi32, #tpu.memory_space<vmem>>
    %dma_wait3A_359 = tpu.memref_squeeze %dma_wait3A_358 : memref<1x16xi32, #tpu.memory_space<vmem>> -> memref<16xi32, #tpu.memory_space<vmem>>
    %dma_wait3A_360 = arith.constant 0 : i32
    %dma_wait3A_361 = arith.constant 0 : i32
    %dma_wait3A_362 = tpu.memref_slice %arg2[%dma_wait3A_360, %dma_wait3A_361] : memref<32768x2048xf32, #tpu.memory_space<hbm>> -> memref<32768x2048xf32, #tpu.memory_space<hbm>>
    %dma_wait3A_363 = tpu.memref_slice %arg9[%dma_wait3A_356] : memref<3x!tpu.dma_semaphore, #tpu.memory_space<semaphore_mem>> -> memref<1x!tpu.dma_semaphore, #tpu.memory_space<semaphore_mem>>
    %dma_wait3A_364 = tpu.memref_squeeze %dma_wait3A_363 : memref<1x!tpu.dma_semaphore, #tpu.memory_space<semaphore_mem>> -> memref<!tpu.dma_semaphore, #tpu.memory_space<semaphore_mem>>
    tpu.wait_indirect_dma semaphore(%dma_wait3A_364 : memref<!tpu.dma_semaphore, #tpu.memory_space<semaphore_mem>>) src(%dma_wait3A_362 : memref<32768x2048xf32, #tpu.memory_space<hbm>>) dst(%arg6 : memref<16x2048xf32, #tpu.memory_space<vmem>>)
    %add3A_365 = arith.constant 144 : i32
    %add3A_366 = arith.addi %mul3A_2, %add3A_365 : i32
    %dma_start3A_367 = arith.constant 0 : i32
    %dma_start3A_368 = arith.constant 0 : i32
    %dma_start3A_369 = tpu.memref_slice %arg4[%add3A_366, %dma_start3A_368] : memref<8192x2048xf32, #tpu.memory_space<hbm>> -> memref<16x2048xf32, #tpu.memory_space<hbm>>
    %dma_start3A_370 = tpu.memref_slice %arg10[%dma_start3A_367] : memref<3x!tpu.dma_semaphore, #tpu.memory_space<semaphore_mem>> -> memref<1x!tpu.dma_semaphore, #tpu.memory_space<semaphore_mem>>
    %dma_start3A_371 = tpu.memref_squeeze %dma_start3A_370 : memref<1x!tpu.dma_semaphore, #tpu.memory_space<semaphore_mem>> -> memref<!tpu.dma_semaphore, #tpu.memory_space<semaphore_mem>>
    %dma_start3A_372 = arith.constant 0 : i32
    %dma_start3A_373 = tpu.memref_slice %arg4[%add3A_366, %dma_start3A_372] : memref<8192x2048xf32, #tpu.memory_space<hbm>> -> memref<16x2048xf32, #tpu.memory_space<hbm>>
    tpu.enqueue_dma source(%arg6 : memref<16x2048xf32, #tpu.memory_space<vmem>>) target(%dma_start3A_373 : memref<16x2048xf32, #tpu.memory_space<hbm>>) target_semaphore(%dma_start3A_371 : memref<!tpu.dma_semaphore, #tpu.memory_space<semaphore_mem>>)
    %dma_wait3A_374 = arith.constant 0 : i32
    %dma_wait3A_375 = arith.constant 0 : i32
    %dma_wait3A_376 = tpu.memref_slice %arg4[%add3A_366, %dma_wait3A_375] : memref<8192x2048xf32, #tpu.memory_space<hbm>> -> memref<16x2048xf32, #tpu.memory_space<hbm>>
    %dma_wait3A_377 = tpu.memref_slice %arg10[%dma_wait3A_374] : memref<3x!tpu.dma_semaphore, #tpu.memory_space<semaphore_mem>> -> memref<1x!tpu.dma_semaphore, #tpu.memory_space<semaphore_mem>>
    %dma_wait3A_378 = tpu.memref_squeeze %dma_wait3A_377 : memref<1x!tpu.dma_semaphore, #tpu.memory_space<semaphore_mem>> -> memref<!tpu.dma_semaphore, #tpu.memory_space<semaphore_mem>>
    %dma_wait3A_379 = arith.constant 0 : i32
    %dma_wait3A_380 = tpu.memref_slice %arg4[%add3A_366, %dma_wait3A_379] : memref<8192x2048xf32, #tpu.memory_space<hbm>> -> memref<16x2048xf32, #tpu.memory_space<hbm>>
    tpu.wait_dma2 semaphore(%dma_wait3A_378 : memref<!tpu.dma_semaphore, #tpu.memory_space<semaphore_mem>>) src(%arg6 : memref<16x2048xf32, #tpu.memory_space<vmem>>) dst(%dma_wait3A_380 : memref<16x2048xf32, #tpu.memory_space<hbm>>)
    %dma_start3A_381 = arith.constant 12 : i32
    %dma_start3A_382 = arith.constant 0 : i32
    %dma_start3A_383 = arith.constant 0 : i32
    %dma_start3A_384 = tpu.memref_slice %arg5[%dma_start3A_381, %dma_start3A_383] : memref<16x16xi32, #tpu.memory_space<vmem>> -> memref<1x16xi32, #tpu.memory_space<vmem>>
    %dma_start3A_385 = tpu.memref_squeeze %dma_start3A_384 : memref<1x16xi32, #tpu.memory_space<vmem>> -> memref<16xi32, #tpu.memory_space<vmem>>
    %dma_start3A_386 = arith.constant 0 : i32
    %dma_start3A_387 = arith.constant 0 : i32
    %dma_start3A_388 = tpu.memref_slice %arg2[%dma_start3A_386, %dma_start3A_387] : memref<32768x2048xf32, #tpu.memory_space<hbm>> -> memref<32768x2048xf32, #tpu.memory_space<hbm>>
    %dma_start3A_389 = tpu.memref_slice %arg9[%dma_start3A_382] : memref<3x!tpu.dma_semaphore, #tpu.memory_space<semaphore_mem>> -> memref<1x!tpu.dma_semaphore, #tpu.memory_space<semaphore_mem>>
    %dma_start3A_390 = tpu.memref_squeeze %dma_start3A_389 : memref<1x!tpu.dma_semaphore, #tpu.memory_space<semaphore_mem>> -> memref<!tpu.dma_semaphore, #tpu.memory_space<semaphore_mem>>
    tpu.enqueue_indirect_dma source(%dma_start3A_388 : memref<32768x2048xf32, #tpu.memory_space<hbm>>) target(%arg6 : memref<16x2048xf32, #tpu.memory_space<vmem>>) offsets(%dma_start3A_385 : memref<16xi32, #tpu.memory_space<vmem>>) semaphore(%dma_start3A_390 : memref<!tpu.dma_semaphore, #tpu.memory_space<semaphore_mem>>)
    %dma_wait3A_391 = arith.constant 10 : i32
    %dma_wait3A_392 = arith.constant 1 : i32
    %dma_wait3A_393 = arith.constant 0 : i32
    %dma_wait3A_394 = tpu.memref_slice %arg5[%dma_wait3A_391, %dma_wait3A_393] : memref<16x16xi32, #tpu.memory_space<vmem>> -> memref<1x16xi32, #tpu.memory_space<vmem>>
    %dma_wait3A_395 = tpu.memref_squeeze %dma_wait3A_394 : memref<1x16xi32, #tpu.memory_space<vmem>> -> memref<16xi32, #tpu.memory_space<vmem>>
    %dma_wait3A_396 = arith.constant 0 : i32
    %dma_wait3A_397 = arith.constant 0 : i32
    %dma_wait3A_398 = tpu.memref_slice %arg2[%dma_wait3A_396, %dma_wait3A_397] : memref<32768x2048xf32, #tpu.memory_space<hbm>> -> memref<32768x2048xf32, #tpu.memory_space<hbm>>
    %dma_wait3A_399 = tpu.memref_slice %arg9[%dma_wait3A_392] : memref<3x!tpu.dma_semaphore, #tpu.memory_space<semaphore_mem>> -> memref<1x!tpu.dma_semaphore, #tpu.memory_space<semaphore_mem>>
    %dma_wait3A_400 = tpu.memref_squeeze %dma_wait3A_399 : memref<1x!tpu.dma_semaphore, #tpu.memory_space<semaphore_mem>> -> memref<!tpu.dma_semaphore, #tpu.memory_space<semaphore_mem>>
    tpu.wait_indirect_dma semaphore(%dma_wait3A_400 : memref<!tpu.dma_semaphore, #tpu.memory_space<semaphore_mem>>) src(%dma_wait3A_398 : memref<32768x2048xf32, #tpu.memory_space<hbm>>) dst(%arg7 : memref<16x2048xf32, #tpu.memory_space<vmem>>)
    %add3A_401 = arith.constant 160 : i32
    %add3A_402 = arith.addi %mul3A_2, %add3A_401 : i32
    %dma_start3A_403 = arith.constant 1 : i32
    %dma_start3A_404 = arith.constant 0 : i32
    %dma_start3A_405 = tpu.memref_slice %arg4[%add3A_402, %dma_start3A_404] : memref<8192x2048xf32, #tpu.memory_space<hbm>> -> memref<16x2048xf32, #tpu.memory_space<hbm>>
    %dma_start3A_406 = tpu.memref_slice %arg10[%dma_start3A_403] : memref<3x!tpu.dma_semaphore, #tpu.memory_space<semaphore_mem>> -> memref<1x!tpu.dma_semaphore, #tpu.memory_space<semaphore_mem>>
    %dma_start3A_407 = tpu.memref_squeeze %dma_start3A_406 : memref<1x!tpu.dma_semaphore, #tpu.memory_space<semaphore_mem>> -> memref<!tpu.dma_semaphore, #tpu.memory_space<semaphore_mem>>
    %dma_start3A_408 = arith.constant 0 : i32
    %dma_start3A_409 = tpu.memref_slice %arg4[%add3A_402, %dma_start3A_408] : memref<8192x2048xf32, #tpu.memory_space<hbm>> -> memref<16x2048xf32, #tpu.memory_space<hbm>>
    tpu.enqueue_dma source(%arg7 : memref<16x2048xf32, #tpu.memory_space<vmem>>) target(%dma_start3A_409 : memref<16x2048xf32, #tpu.memory_space<hbm>>) target_semaphore(%dma_start3A_407 : memref<!tpu.dma_semaphore, #tpu.memory_space<semaphore_mem>>)
    %dma_wait3A_410 = arith.constant 1 : i32
    %dma_wait3A_411 = arith.constant 0 : i32
    %dma_wait3A_412 = tpu.memref_slice %arg4[%add3A_402, %dma_wait3A_411] : memref<8192x2048xf32, #tpu.memory_space<hbm>> -> memref<16x2048xf32, #tpu.memory_space<hbm>>
    %dma_wait3A_413 = tpu.memref_slice %arg10[%dma_wait3A_410] : memref<3x!tpu.dma_semaphore, #tpu.memory_space<semaphore_mem>> -> memref<1x!tpu.dma_semaphore, #tpu.memory_space<semaphore_mem>>
    %dma_wait3A_414 = tpu.memref_squeeze %dma_wait3A_413 : memref<1x!tpu.dma_semaphore, #tpu.memory_space<semaphore_mem>> -> memref<!tpu.dma_semaphore, #tpu.memory_space<semaphore_mem>>
    %dma_wait3A_415 = arith.constant 0 : i32
    %dma_wait3A_416 = tpu.memref_slice %arg4[%add3A_402, %dma_wait3A_415] : memref<8192x2048xf32, #tpu.memory_space<hbm>> -> memref<16x2048xf32, #tpu.memory_space<hbm>>
    tpu.wait_dma2 semaphore(%dma_wait3A_414 : memref<!tpu.dma_semaphore, #tpu.memory_space<semaphore_mem>>) src(%arg7 : memref<16x2048xf32, #tpu.memory_space<vmem>>) dst(%dma_wait3A_416 : memref<16x2048xf32, #tpu.memory_space<hbm>>)
    %dma_start3A_417 = arith.constant 13 : i32
    %dma_start3A_418 = arith.constant 1 : i32
    %dma_start3A_419 = arith.constant 0 : i32
    %dma_start3A_420 = tpu.memref_slice %arg5[%dma_start3A_417, %dma_start3A_419] : memref<16x16xi32, #tpu.memory_space<vmem>> -> memref<1x16xi32, #tpu.memory_space<vmem>>
    %dma_start3A_421 = tpu.memref_squeeze %dma_start3A_420 : memref<1x16xi32, #tpu.memory_space<vmem>> -> memref<16xi32, #tpu.memory_space<vmem>>
    %dma_start3A_422 = arith.constant 0 : i32
    %dma_start3A_423 = arith.constant 0 : i32
    %dma_start3A_424 = tpu.memref_slice %arg2[%dma_start3A_422, %dma_start3A_423] : memref<32768x2048xf32, #tpu.memory_space<hbm>> -> memref<32768x2048xf32, #tpu.memory_space<hbm>>
    %dma_start3A_425 = tpu.memref_slice %arg9[%dma_start3A_418] : memref<3x!tpu.dma_semaphore, #tpu.memory_space<semaphore_mem>> -> memref<1x!tpu.dma_semaphore, #tpu.memory_space<semaphore_mem>>
    %dma_start3A_426 = tpu.memref_squeeze %dma_start3A_425 : memref<1x!tpu.dma_semaphore, #tpu.memory_space<semaphore_mem>> -> memref<!tpu.dma_semaphore, #tpu.memory_space<semaphore_mem>>
    tpu.enqueue_indirect_dma source(%dma_start3A_424 : memref<32768x2048xf32, #tpu.memory_space<hbm>>) target(%arg7 : memref<16x2048xf32, #tpu.memory_space<vmem>>) offsets(%dma_start3A_421 : memref<16xi32, #tpu.memory_space<vmem>>) semaphore(%dma_start3A_426 : memref<!tpu.dma_semaphore, #tpu.memory_space<semaphore_mem>>)
    %dma_wait3A_427 = arith.constant 11 : i32
    %dma_wait3A_428 = arith.constant 2 : i32
    %dma_wait3A_429 = arith.constant 0 : i32
    %dma_wait3A_430 = tpu.memref_slice %arg5[%dma_wait3A_427, %dma_wait3A_429] : memref<16x16xi32, #tpu.memory_space<vmem>> -> memref<1x16xi32, #tpu.memory_space<vmem>>
    %dma_wait3A_431 = tpu.memref_squeeze %dma_wait3A_430 : memref<1x16xi32, #tpu.memory_space<vmem>> -> memref<16xi32, #tpu.memory_space<vmem>>
    %dma_wait3A_432 = arith.constant 0 : i32
    %dma_wait3A_433 = arith.constant 0 : i32
    %dma_wait3A_434 = tpu.memref_slice %arg2[%dma_wait3A_432, %dma_wait3A_433] : memref<32768x2048xf32, #tpu.memory_space<hbm>> -> memref<32768x2048xf32, #tpu.memory_space<hbm>>
    %dma_wait3A_435 = tpu.memref_slice %arg9[%dma_wait3A_428] : memref<3x!tpu.dma_semaphore, #tpu.memory_space<semaphore_mem>> -> memref<1x!tpu.dma_semaphore, #tpu.memory_space<semaphore_mem>>
    %dma_wait3A_436 = tpu.memref_squeeze %dma_wait3A_435 : memref<1x!tpu.dma_semaphore, #tpu.memory_space<semaphore_mem>> -> memref<!tpu.dma_semaphore, #tpu.memory_space<semaphore_mem>>
    tpu.wait_indirect_dma semaphore(%dma_wait3A_436 : memref<!tpu.dma_semaphore, #tpu.memory_space<semaphore_mem>>) src(%dma_wait3A_434 : memref<32768x2048xf32, #tpu.memory_space<hbm>>) dst(%arg8 : memref<16x2048xf32, #tpu.memory_space<vmem>>)
    %add3A_437 = arith.constant 176 : i32
    %add3A_438 = arith.addi %mul3A_2, %add3A_437 : i32
    %dma_start3A_439 = arith.constant 2 : i32
    %dma_start3A_440 = arith.constant 0 : i32
    %dma_start3A_441 = tpu.memref_slice %arg4[%add3A_438, %dma_start3A_440] : memref<8192x2048xf32, #tpu.memory_space<hbm>> -> memref<16x2048xf32, #tpu.memory_space<hbm>>
    %dma_start3A_442 = tpu.memref_slice %arg10[%dma_start3A_439] : memref<3x!tpu.dma_semaphore, #tpu.memory_space<semaphore_mem>> -> memref<1x!tpu.dma_semaphore, #tpu.memory_space<semaphore_mem>>
    %dma_start3A_443 = tpu.memref_squeeze %dma_start3A_442 : memref<1x!tpu.dma_semaphore, #tpu.memory_space<semaphore_mem>> -> memref<!tpu.dma_semaphore, #tpu.memory_space<semaphore_mem>>
    %dma_start3A_444 = arith.constant 0 : i32
    %dma_start3A_445 = tpu.memref_slice %arg4[%add3A_438, %dma_start3A_444] : memref<8192x2048xf32, #tpu.memory_space<hbm>> -> memref<16x2048xf32, #tpu.memory_space<hbm>>
    tpu.enqueue_dma source(%arg8 : memref<16x2048xf32, #tpu.memory_space<vmem>>) target(%dma_start3A_445 : memref<16x2048xf32, #tpu.memory_space<hbm>>) target_semaphore(%dma_start3A_443 : memref<!tpu.dma_semaphore, #tpu.memory_space<semaphore_mem>>)
    %dma_wait3A_446 = arith.constant 2 : i32
    %dma_wait3A_447 = arith.constant 0 : i32
    %dma_wait3A_448 = tpu.memref_slice %arg4[%add3A_438, %dma_wait3A_447] : memref<8192x2048xf32, #tpu.memory_space<hbm>> -> memref<16x2048xf32, #tpu.memory_space<hbm>>
    %dma_wait3A_449 = tpu.memref_slice %arg10[%dma_wait3A_446] : memref<3x!tpu.dma_semaphore, #tpu.memory_space<semaphore_mem>> -> memref<1x!tpu.dma_semaphore, #tpu.memory_space<semaphore_mem>>
    %dma_wait3A_450 = tpu.memref_squeeze %dma_wait3A_449 : memref<1x!tpu.dma_semaphore, #tpu.memory_space<semaphore_mem>> -> memref<!tpu.dma_semaphore, #tpu.memory_space<semaphore_mem>>
    %dma_wait3A_451 = arith.constant 0 : i32
    %dma_wait3A_452 = tpu.memref_slice %arg4[%add3A_438, %dma_wait3A_451] : memref<8192x2048xf32, #tpu.memory_space<hbm>> -> memref<16x2048xf32, #tpu.memory_space<hbm>>
    tpu.wait_dma2 semaphore(%dma_wait3A_450 : memref<!tpu.dma_semaphore, #tpu.memory_space<semaphore_mem>>) src(%arg8 : memref<16x2048xf32, #tpu.memory_space<vmem>>) dst(%dma_wait3A_452 : memref<16x2048xf32, #tpu.memory_space<hbm>>)
    %dma_start3A_453 = arith.constant 14 : i32
    %dma_start3A_454 = arith.constant 2 : i32
    %dma_start3A_455 = arith.constant 0 : i32
    %dma_start3A_456 = tpu.memref_slice %arg5[%dma_start3A_453, %dma_start3A_455] : memref<16x16xi32, #tpu.memory_space<vmem>> -> memref<1x16xi32, #tpu.memory_space<vmem>>
    %dma_start3A_457 = tpu.memref_squeeze %dma_start3A_456 : memref<1x16xi32, #tpu.memory_space<vmem>> -> memref<16xi32, #tpu.memory_space<vmem>>
    %dma_start3A_458 = arith.constant 0 : i32
    %dma_start3A_459 = arith.constant 0 : i32
    %dma_start3A_460 = tpu.memref_slice %arg2[%dma_start3A_458, %dma_start3A_459] : memref<32768x2048xf32, #tpu.memory_space<hbm>> -> memref<32768x2048xf32, #tpu.memory_space<hbm>>
    %dma_start3A_461 = tpu.memref_slice %arg9[%dma_start3A_454] : memref<3x!tpu.dma_semaphore, #tpu.memory_space<semaphore_mem>> -> memref<1x!tpu.dma_semaphore, #tpu.memory_space<semaphore_mem>>
    %dma_start3A_462 = tpu.memref_squeeze %dma_start3A_461 : memref<1x!tpu.dma_semaphore, #tpu.memory_space<semaphore_mem>> -> memref<!tpu.dma_semaphore, #tpu.memory_space<semaphore_mem>>
    tpu.enqueue_indirect_dma source(%dma_start3A_460 : memref<32768x2048xf32, #tpu.memory_space<hbm>>) target(%arg8 : memref<16x2048xf32, #tpu.memory_space<vmem>>) offsets(%dma_start3A_457 : memref<16xi32, #tpu.memory_space<vmem>>) semaphore(%dma_start3A_462 : memref<!tpu.dma_semaphore, #tpu.memory_space<semaphore_mem>>)
    %dma_wait3A_463 = arith.constant 12 : i32
    %dma_wait3A_464 = arith.constant 0 : i32
    %dma_wait3A_465 = arith.constant 0 : i32
    %dma_wait3A_466 = tpu.memref_slice %arg5[%dma_wait3A_463, %dma_wait3A_465] : memref<16x16xi32, #tpu.memory_space<vmem>> -> memref<1x16xi32, #tpu.memory_space<vmem>>
    %dma_wait3A_467 = tpu.memref_squeeze %dma_wait3A_466 : memref<1x16xi32, #tpu.memory_space<vmem>> -> memref<16xi32, #tpu.memory_space<vmem>>
    %dma_wait3A_468 = arith.constant 0 : i32
    %dma_wait3A_469 = arith.constant 0 : i32
    %dma_wait3A_470 = tpu.memref_slice %arg2[%dma_wait3A_468, %dma_wait3A_469] : memref<32768x2048xf32, #tpu.memory_space<hbm>> -> memref<32768x2048xf32, #tpu.memory_space<hbm>>
    %dma_wait3A_471 = tpu.memref_slice %arg9[%dma_wait3A_464] : memref<3x!tpu.dma_semaphore, #tpu.memory_space<semaphore_mem>> -> memref<1x!tpu.dma_semaphore, #tpu.memory_space<semaphore_mem>>
    %dma_wait3A_472 = tpu.memref_squeeze %dma_wait3A_471 : memref<1x!tpu.dma_semaphore, #tpu.memory_space<semaphore_mem>> -> memref<!tpu.dma_semaphore, #tpu.memory_space<semaphore_mem>>
    tpu.wait_indirect_dma semaphore(%dma_wait3A_472 : memref<!tpu.dma_semaphore, #tpu.memory_space<semaphore_mem>>) src(%dma_wait3A_470 : memref<32768x2048xf32, #tpu.memory_space<hbm>>) dst(%arg6 : memref<16x2048xf32, #tpu.memory_space<vmem>>)
    %add3A_473 = arith.constant 192 : i32
    %add3A_474 = arith.addi %mul3A_2, %add3A_473 : i32
    %dma_start3A_475 = arith.constant 0 : i32
    %dma_start3A_476 = arith.constant 0 : i32
    %dma_start3A_477 = tpu.memref_slice %arg4[%add3A_474, %dma_start3A_476] : memref<8192x2048xf32, #tpu.memory_space<hbm>> -> memref<16x2048xf32, #tpu.memory_space<hbm>>
    %dma_start3A_478 = tpu.memref_slice %arg10[%dma_start3A_475] : memref<3x!tpu.dma_semaphore, #tpu.memory_space<semaphore_mem>> -> memref<1x!tpu.dma_semaphore, #tpu.memory_space<semaphore_mem>>
    %dma_start3A_479 = tpu.memref_squeeze %dma_start3A_478 : memref<1x!tpu.dma_semaphore, #tpu.memory_space<semaphore_mem>> -> memref<!tpu.dma_semaphore, #tpu.memory_space<semaphore_mem>>
    %dma_start3A_480 = arith.constant 0 : i32
    %dma_start3A_481 = tpu.memref_slice %arg4[%add3A_474, %dma_start3A_480] : memref<8192x2048xf32, #tpu.memory_space<hbm>> -> memref<16x2048xf32, #tpu.memory_space<hbm>>
    tpu.enqueue_dma source(%arg6 : memref<16x2048xf32, #tpu.memory_space<vmem>>) target(%dma_start3A_481 : memref<16x2048xf32, #tpu.memory_space<hbm>>) target_semaphore(%dma_start3A_479 : memref<!tpu.dma_semaphore, #tpu.memory_space<semaphore_mem>>)
    %dma_wait3A_482 = arith.constant 0 : i32
    %dma_wait3A_483 = arith.constant 0 : i32
    %dma_wait3A_484 = tpu.memref_slice %arg4[%add3A_474, %dma_wait3A_483] : memref<8192x2048xf32, #tpu.memory_space<hbm>> -> memref<16x2048xf32, #tpu.memory_space<hbm>>
    %dma_wait3A_485 = tpu.memref_slice %arg10[%dma_wait3A_482] : memref<3x!tpu.dma_semaphore, #tpu.memory_space<semaphore_mem>> -> memref<1x!tpu.dma_semaphore, #tpu.memory_space<semaphore_mem>>
    %dma_wait3A_486 = tpu.memref_squeeze %dma_wait3A_485 : memref<1x!tpu.dma_semaphore, #tpu.memory_space<semaphore_mem>> -> memref<!tpu.dma_semaphore, #tpu.memory_space<semaphore_mem>>
    %dma_wait3A_487 = arith.constant 0 : i32
    %dma_wait3A_488 = tpu.memref_slice %arg4[%add3A_474, %dma_wait3A_487] : memref<8192x2048xf32, #tpu.memory_space<hbm>> -> memref<16x2048xf32, #tpu.memory_space<hbm>>
    tpu.wait_dma2 semaphore(%dma_wait3A_486 : memref<!tpu.dma_semaphore, #tpu.memory_space<semaphore_mem>>) src(%arg6 : memref<16x2048xf32, #tpu.memory_space<vmem>>) dst(%dma_wait3A_488 : memref<16x2048xf32, #tpu.memory_space<hbm>>)
    %dma_start3A_489 = arith.constant 15 : i32
    %dma_start3A_490 = arith.constant 0 : i32
    %dma_start3A_491 = arith.constant 0 : i32
    %dma_start3A_492 = tpu.memref_slice %arg5[%dma_start3A_489, %dma_start3A_491] : memref<16x16xi32, #tpu.memory_space<vmem>> -> memref<1x16xi32, #tpu.memory_space<vmem>>
    %dma_start3A_493 = tpu.memref_squeeze %dma_start3A_492 : memref<1x16xi32, #tpu.memory_space<vmem>> -> memref<16xi32, #tpu.memory_space<vmem>>
    %dma_start3A_494 = arith.constant 0 : i32
    %dma_start3A_495 = arith.constant 0 : i32
    %dma_start3A_496 = tpu.memref_slice %arg2[%dma_start3A_494, %dma_start3A_495] : memref<32768x2048xf32, #tpu.memory_space<hbm>> -> memref<32768x2048xf32, #tpu.memory_space<hbm>>
    %dma_start3A_497 = tpu.memref_slice %arg9[%dma_start3A_490] : memref<3x!tpu.dma_semaphore, #tpu.memory_space<semaphore_mem>> -> memref<1x!tpu.dma_semaphore, #tpu.memory_space<semaphore_mem>>
    %dma_start3A_498 = tpu.memref_squeeze %dma_start3A_497 : memref<1x!tpu.dma_semaphore, #tpu.memory_space<semaphore_mem>> -> memref<!tpu.dma_semaphore, #tpu.memory_space<semaphore_mem>>
    tpu.enqueue_indirect_dma source(%dma_start3A_496 : memref<32768x2048xf32, #tpu.memory_space<hbm>>) target(%arg6 : memref<16x2048xf32, #tpu.memory_space<vmem>>) offsets(%dma_start3A_493 : memref<16xi32, #tpu.memory_space<vmem>>) semaphore(%dma_start3A_498 : memref<!tpu.dma_semaphore, #tpu.memory_space<semaphore_mem>>)
    %dma_wait3A_499 = arith.constant 13 : i32
    %dma_wait3A_500 = arith.constant 1 : i32
    %dma_wait3A_501 = arith.constant 0 : i32
    %dma_wait3A_502 = tpu.memref_slice %arg5[%dma_wait3A_499, %dma_wait3A_501] : memref<16x16xi32, #tpu.memory_space<vmem>> -> memref<1x16xi32, #tpu.memory_space<vmem>>
    %dma_wait3A_503 = tpu.memref_squeeze %dma_wait3A_502 : memref<1x16xi32, #tpu.memory_space<vmem>> -> memref<16xi32, #tpu.memory_space<vmem>>
    %dma_wait3A_504 = arith.constant 0 : i32
    %dma_wait3A_505 = arith.constant 0 : i32
    %dma_wait3A_506 = tpu.memref_slice %arg2[%dma_wait3A_504, %dma_wait3A_505] : memref<32768x2048xf32, #tpu.memory_space<hbm>> -> memref<32768x2048xf32, #tpu.memory_space<hbm>>
    %dma_wait3A_507 = tpu.memref_slice %arg9[%dma_wait3A_500] : memref<3x!tpu.dma_semaphore, #tpu.memory_space<semaphore_mem>> -> memref<1x!tpu.dma_semaphore, #tpu.memory_space<semaphore_mem>>
    %dma_wait3A_508 = tpu.memref_squeeze %dma_wait3A_507 : memref<1x!tpu.dma_semaphore, #tpu.memory_space<semaphore_mem>> -> memref<!tpu.dma_semaphore, #tpu.memory_space<semaphore_mem>>
    tpu.wait_indirect_dma semaphore(%dma_wait3A_508 : memref<!tpu.dma_semaphore, #tpu.memory_space<semaphore_mem>>) src(%dma_wait3A_506 : memref<32768x2048xf32, #tpu.memory_space<hbm>>) dst(%arg7 : memref<16x2048xf32, #tpu.memory_space<vmem>>)
    %add3A_509 = arith.constant 208 : i32
    %add3A_510 = arith.addi %mul3A_2, %add3A_509 : i32
    %dma_start3A_511 = arith.constant 1 : i32
    %dma_start3A_512 = arith.constant 0 : i32
    %dma_start3A_513 = tpu.memref_slice %arg4[%add3A_510, %dma_start3A_512] : memref<8192x2048xf32, #tpu.memory_space<hbm>> -> memref<16x2048xf32, #tpu.memory_space<hbm>>
    %dma_start3A_514 = tpu.memref_slice %arg10[%dma_start3A_511] : memref<3x!tpu.dma_semaphore, #tpu.memory_space<semaphore_mem>> -> memref<1x!tpu.dma_semaphore, #tpu.memory_space<semaphore_mem>>
    %dma_start3A_515 = tpu.memref_squeeze %dma_start3A_514 : memref<1x!tpu.dma_semaphore, #tpu.memory_space<semaphore_mem>> -> memref<!tpu.dma_semaphore, #tpu.memory_space<semaphore_mem>>
    %dma_start3A_516 = arith.constant 0 : i32
    %dma_start3A_517 = tpu.memref_slice %arg4[%add3A_510, %dma_start3A_516] : memref<8192x2048xf32, #tpu.memory_space<hbm>> -> memref<16x2048xf32, #tpu.memory_space<hbm>>
    tpu.enqueue_dma source(%arg7 : memref<16x2048xf32, #tpu.memory_space<vmem>>) target(%dma_start3A_517 : memref<16x2048xf32, #tpu.memory_space<hbm>>) target_semaphore(%dma_start3A_515 : memref<!tpu.dma_semaphore, #tpu.memory_space<semaphore_mem>>)
    %dma_wait3A_518 = arith.constant 1 : i32
    %dma_wait3A_519 = arith.constant 0 : i32
    %dma_wait3A_520 = tpu.memref_slice %arg4[%add3A_510, %dma_wait3A_519] : memref<8192x2048xf32, #tpu.memory_space<hbm>> -> memref<16x2048xf32, #tpu.memory_space<hbm>>
    %dma_wait3A_521 = tpu.memref_slice %arg10[%dma_wait3A_518] : memref<3x!tpu.dma_semaphore, #tpu.memory_space<semaphore_mem>> -> memref<1x!tpu.dma_semaphore, #tpu.memory_space<semaphore_mem>>
    %dma_wait3A_522 = tpu.memref_squeeze %dma_wait3A_521 : memref<1x!tpu.dma_semaphore, #tpu.memory_space<semaphore_mem>> -> memref<!tpu.dma_semaphore, #tpu.memory_space<semaphore_mem>>
    %dma_wait3A_523 = arith.constant 0 : i32
    %dma_wait3A_524 = tpu.memref_slice %arg4[%add3A_510, %dma_wait3A_523] : memref<8192x2048xf32, #tpu.memory_space<hbm>> -> memref<16x2048xf32, #tpu.memory_space<hbm>>
    tpu.wait_dma2 semaphore(%dma_wait3A_522 : memref<!tpu.dma_semaphore, #tpu.memory_space<semaphore_mem>>) src(%arg7 : memref<16x2048xf32, #tpu.memory_space<vmem>>) dst(%dma_wait3A_524 : memref<16x2048xf32, #tpu.memory_space<hbm>>)
    %dma_wait3A_525 = arith.constant 14 : i32
    %dma_wait3A_526 = arith.constant 2 : i32
    %dma_wait3A_527 = arith.constant 0 : i32
    %dma_wait3A_528 = tpu.memref_slice %arg5[%dma_wait3A_525, %dma_wait3A_527] : memref<16x16xi32, #tpu.memory_space<vmem>> -> memref<1x16xi32, #tpu.memory_space<vmem>>
    %dma_wait3A_529 = tpu.memref_squeeze %dma_wait3A_528 : memref<1x16xi32, #tpu.memory_space<vmem>> -> memref<16xi32, #tpu.memory_space<vmem>>
    %dma_wait3A_530 = arith.constant 0 : i32
    %dma_wait3A_531 = arith.constant 0 : i32
    %dma_wait3A_532 = tpu.memref_slice %arg2[%dma_wait3A_530, %dma_wait3A_531] : memref<32768x2048xf32, #tpu.memory_space<hbm>> -> memref<32768x2048xf32, #tpu.memory_space<hbm>>
    %dma_wait3A_533 = tpu.memref_slice %arg9[%dma_wait3A_526] : memref<3x!tpu.dma_semaphore, #tpu.memory_space<semaphore_mem>> -> memref<1x!tpu.dma_semaphore, #tpu.memory_space<semaphore_mem>>
    %dma_wait3A_534 = tpu.memref_squeeze %dma_wait3A_533 : memref<1x!tpu.dma_semaphore, #tpu.memory_space<semaphore_mem>> -> memref<!tpu.dma_semaphore, #tpu.memory_space<semaphore_mem>>
    tpu.wait_indirect_dma semaphore(%dma_wait3A_534 : memref<!tpu.dma_semaphore, #tpu.memory_space<semaphore_mem>>) src(%dma_wait3A_532 : memref<32768x2048xf32, #tpu.memory_space<hbm>>) dst(%arg8 : memref<16x2048xf32, #tpu.memory_space<vmem>>)
    %add3A_535 = arith.constant 224 : i32
    %add3A_536 = arith.addi %mul3A_2, %add3A_535 : i32
    %dma_start3A_537 = arith.constant 2 : i32
    %dma_start3A_538 = arith.constant 0 : i32
    %dma_start3A_539 = tpu.memref_slice %arg4[%add3A_536, %dma_start3A_538] : memref<8192x2048xf32, #tpu.memory_space<hbm>> -> memref<16x2048xf32, #tpu.memory_space<hbm>>
    %dma_start3A_540 = tpu.memref_slice %arg10[%dma_start3A_537] : memref<3x!tpu.dma_semaphore, #tpu.memory_space<semaphore_mem>> -> memref<1x!tpu.dma_semaphore, #tpu.memory_space<semaphore_mem>>
    %dma_start3A_541 = tpu.memref_squeeze %dma_start3A_540 : memref<1x!tpu.dma_semaphore, #tpu.memory_space<semaphore_mem>> -> memref<!tpu.dma_semaphore, #tpu.memory_space<semaphore_mem>>
    %dma_start3A_542 = arith.constant 0 : i32
    %dma_start3A_543 = tpu.memref_slice %arg4[%add3A_536, %dma_start3A_542] : memref<8192x2048xf32, #tpu.memory_space<hbm>> -> memref<16x2048xf32, #tpu.memory_space<hbm>>
    tpu.enqueue_dma source(%arg8 : memref<16x2048xf32, #tpu.memory_space<vmem>>) target(%dma_start3A_543 : memref<16x2048xf32, #tpu.memory_space<hbm>>) target_semaphore(%dma_start3A_541 : memref<!tpu.dma_semaphore, #tpu.memory_space<semaphore_mem>>)
    %dma_wait3A_544 = arith.constant 2 : i32
    %dma_wait3A_545 = arith.constant 0 : i32
    %dma_wait3A_546 = tpu.memref_slice %arg4[%add3A_536, %dma_wait3A_545] : memref<8192x2048xf32, #tpu.memory_space<hbm>> -> memref<16x2048xf32, #tpu.memory_space<hbm>>
    %dma_wait3A_547 = tpu.memref_slice %arg10[%dma_wait3A_544] : memref<3x!tpu.dma_semaphore, #tpu.memory_space<semaphore_mem>> -> memref<1x!tpu.dma_semaphore, #tpu.memory_space<semaphore_mem>>
    %dma_wait3A_548 = tpu.memref_squeeze %dma_wait3A_547 : memref<1x!tpu.dma_semaphore, #tpu.memory_space<semaphore_mem>> -> memref<!tpu.dma_semaphore, #tpu.memory_space<semaphore_mem>>
    %dma_wait3A_549 = arith.constant 0 : i32
    %dma_wait3A_550 = tpu.memref_slice %arg4[%add3A_536, %dma_wait3A_549] : memref<8192x2048xf32, #tpu.memory_space<hbm>> -> memref<16x2048xf32, #tpu.memory_space<hbm>>
    tpu.wait_dma2 semaphore(%dma_wait3A_548 : memref<!tpu.dma_semaphore, #tpu.memory_space<semaphore_mem>>) src(%arg8 : memref<16x2048xf32, #tpu.memory_space<vmem>>) dst(%dma_wait3A_550 : memref<16x2048xf32, #tpu.memory_space<hbm>>)
    %dma_wait3A_551 = arith.constant 15 : i32
    %dma_wait3A_552 = arith.constant 0 : i32
    %dma_wait3A_553 = arith.constant 0 : i32
    %dma_wait3A_554 = tpu.memref_slice %arg5[%dma_wait3A_551, %dma_wait3A_553] : memref<16x16xi32, #tpu.memory_space<vmem>> -> memref<1x16xi32, #tpu.memory_space<vmem>>
    %dma_wait3A_555 = tpu.memref_squeeze %dma_wait3A_554 : memref<1x16xi32, #tpu.memory_space<vmem>> -> memref<16xi32, #tpu.memory_space<vmem>>
    %dma_wait3A_556 = arith.constant 0 : i32
    %dma_wait3A_557 = arith.constant 0 : i32
    %dma_wait3A_558 = tpu.memref_slice %arg2[%dma_wait3A_556, %dma_wait3A_557] : memref<32768x2048xf32, #tpu.memory_space<hbm>> -> memref<32768x2048xf32, #tpu.memory_space<hbm>>
    %dma_wait3A_559 = tpu.memref_slice %arg9[%dma_wait3A_552] : memref<3x!tpu.dma_semaphore, #tpu.memory_space<semaphore_mem>> -> memref<1x!tpu.dma_semaphore, #tpu.memory_space<semaphore_mem>>
    %dma_wait3A_560 = tpu.memref_squeeze %dma_wait3A_559 : memref<1x!tpu.dma_semaphore, #tpu.memory_space<semaphore_mem>> -> memref<!tpu.dma_semaphore, #tpu.memory_space<semaphore_mem>>
    tpu.wait_indirect_dma semaphore(%dma_wait3A_560 : memref<!tpu.dma_semaphore, #tpu.memory_space<semaphore_mem>>) src(%dma_wait3A_558 : memref<32768x2048xf32, #tpu.memory_space<hbm>>) dst(%arg6 : memref<16x2048xf32, #tpu.memory_space<vmem>>)
    %add3A_561 = arith.constant 240 : i32
    %add3A_562 = arith.addi %mul3A_2, %add3A_561 : i32
    %dma_start3A_563 = arith.constant 0 : i32
    %dma_start3A_564 = arith.constant 0 : i32
    %dma_start3A_565 = tpu.memref_slice %arg4[%add3A_562, %dma_start3A_564] : memref<8192x2048xf32, #tpu.memory_space<hbm>> -> memref<16x2048xf32, #tpu.memory_space<hbm>>
    %dma_start3A_566 = tpu.memref_slice %arg10[%dma_start3A_563] : memref<3x!tpu.dma_semaphore, #tpu.memory_space<semaphore_mem>> -> memref<1x!tpu.dma_semaphore, #tpu.memory_space<semaphore_mem>>
    %dma_start3A_567 = tpu.memref_squeeze %dma_start3A_566 : memref<1x!tpu.dma_semaphore, #tpu.memory_space<semaphore_mem>> -> memref<!tpu.dma_semaphore, #tpu.memory_space<semaphore_mem>>
    %dma_start3A_568 = arith.constant 0 : i32
    %dma_start3A_569 = tpu.memref_slice %arg4[%add3A_562, %dma_start3A_568] : memref<8192x2048xf32, #tpu.memory_space<hbm>> -> memref<16x2048xf32, #tpu.memory_space<hbm>>
    tpu.enqueue_dma source(%arg6 : memref<16x2048xf32, #tpu.memory_space<vmem>>) target(%dma_start3A_569 : memref<16x2048xf32, #tpu.memory_space<hbm>>) target_semaphore(%dma_start3A_567 : memref<!tpu.dma_semaphore, #tpu.memory_space<semaphore_mem>>)
    %dma_wait3A_570 = arith.constant 0 : i32
    %dma_wait3A_571 = arith.constant 0 : i32
    %dma_wait3A_572 = tpu.memref_slice %arg4[%add3A_562, %dma_wait3A_571] : memref<8192x2048xf32, #tpu.memory_space<hbm>> -> memref<16x2048xf32, #tpu.memory_space<hbm>>
    %dma_wait3A_573 = tpu.memref_slice %arg10[%dma_wait3A_570] : memref<3x!tpu.dma_semaphore, #tpu.memory_space<semaphore_mem>> -> memref<1x!tpu.dma_semaphore, #tpu.memory_space<semaphore_mem>>
    %dma_wait3A_574 = tpu.memref_squeeze %dma_wait3A_573 : memref<1x!tpu.dma_semaphore, #tpu.memory_space<semaphore_mem>> -> memref<!tpu.dma_semaphore, #tpu.memory_space<semaphore_mem>>
    %dma_wait3A_575 = arith.constant 0 : i32
    %dma_wait3A_576 = tpu.memref_slice %arg4[%add3A_562, %dma_wait3A_575] : memref<8192x2048xf32, #tpu.memory_space<hbm>> -> memref<16x2048xf32, #tpu.memory_space<hbm>>
    tpu.wait_dma2 semaphore(%dma_wait3A_574 : memref<!tpu.dma_semaphore, #tpu.memory_space<semaphore_mem>>) src(%arg6 : memref<16x2048xf32, #tpu.memory_space<vmem>>) dst(%dma_wait3A_576 : memref<16x2048xf32, #tpu.memory_space<hbm>>)
    return
  }
}

</mosaic_0001>

<sc_bundles>
// kernel: _sc_decimate.3.cloned.1.call-start
scs
__scs_entry_jumppad:
0x0: {  	(pc) =	sbr.rel $0x88, $3  }
0x1: {  	(tag) =	ssettag $0x0;
	lr =	simm.s32 $0x1  }
0x2: {  	[smem:$0x3F9F] =	sst lr;
	_ =	strace $0xD0000000  }
0x3: {  	_ = 	snop  }
0x4: {  	_ = 	snop  }
0x5: {  	_ = 	snop  }
0x6: {  	_ = 	snop  }
0x7: {  	_ = 	snop  }
__scs_overlays_trampoline_lowered:
0x8: {  	[smem:$0x3FAE] =	sst s0  }
0x9: {  	[smem:$0x3FAF] =	sst s1  }
0xa: {  	[smem:$0x3FB0] =	sst s2  }
0xb: {  	[smem:$0x3FB1] =	sst s3  }
0xc: {  	[smem:$0x3FB2] =	sst s4  }
0xd: {  	[smem:$0x3FB3] =	sst s5  }
0xe: {  	[smem:$0x3FB4] =	sst s6  }
0xf: {  	[smem:$0x3FB5] =	sst s7  }
0x10: {  	[smem:$0x3FB6] =	sst s8  }
0x11: {  	[smem:$0x3FB7] =	sst s9;
	s0 =	simm.s32 @!p0 $0x0  }
0x12: {  	s1 =	sld [smem:$0x3F9D];
	s0 =	simm.s32 @p0 $0x1  }
0x13: {  	[smem:$0x3FB8] =	sst s0;
	s0 =	simm.s32 @!p1 $0x0  }
0x14: {  	s2 =	sld [smem:$0x3F9C];
	s0 =	simm.s32 @p1 $0x1  }
0x15: {  	[smem:$0x3FB9] =	sst s0;
	s0 =	simm.s32 @!p2 $0x0  }
0x16: {  	s3 =	sld [smem:$0x3FDB];
	s0 =	simm.s32 @p2 $0x1  }
0x17: {  	s4 =	simm.s32 $0x1BF5;
	[smem:$0x3FBB] =	sst s0  }
0x18: {  	s0 =	sld [smem:$0x3F9E];
	_ =	swait.ge [sflag:s4], $0x0  }
0x19: {  	s7 =	sld [smem:$0x3F9F]  }
0x1a: {  	s8 =	sadd.s32 $0xFFFFE003, lr  }
0x1b: {  	s9 =	sadd.s32 $0xFFFFFEF7, lr;
	s5 =	simm.s32 $0xFFFFFFFF;
	p2 =	slt.u32 s8, $0xFFFFF086  }
0x1c: {  	p1 =	slt.u32 s9, $0xF7A;
	s5 =	simm.s32 @!p2 $0x0  }
0x1d: {  	s5 =	simm.s32 @p1 $0x1;
	p0 =	seq.s32 s7, s2  }
0x1e: {  	s7 =	smul.u32 @!p0 $0xF7A, s2;
	p2 =	seq.s32 @!p0 s5, $0x0  }
0x1f: {  	s9 =	smul.u32 $0xF7A, s1;
	s8 =	simm.s32 @!p0 $0x1BF5;
	p2 =	por !p2, p0  }
0x20: {  	[sflag:s8] =	ssyncset.s32 @!p0 $0xFFFFF086;
	s6 =	sadd.s32 @!p0 s3, s7;
	s7 =	simm.s32 @!p0 $0x108  }
0x21: {  	s3 =	sadd.s32 s3, s9;
	s6 =	sadd.s32 @!p0 $0x88, s6;
	s7 =	simm.s32 @p2 $0x1082  }
0x22: {  	[simem:s7], [sflag:s8] =	dma.local @!p0 [hbm:s6], $0xF7A  }
0x23: {  	s9 =	sor.u32 $0xD0000000, s2;
	s6 =	simm.s32 $0x108;
	_ =	swait.ge @!p0 [sflag:s8], $0x0  }
0x24: {  	s3 =	sadd.s32 $0x88, s3;
	s6 =	simm.s32 @!p1 $0x1082;
	[sflag:s4] =	ssyncset.s32 $0xFFFFF086  }
0x25: {  	[simem:s6], [sflag:s4] =	dma.local [hbm:s3], $0xF7A  }
0x26: {  	[smem:$0x3F9F] =	sst s1;
	(tag) =	ssettag s2;
	_ =	strace s9  }
0x27: {  	s1 =	sld [smem:$0x3FAF]  }
0x28: {  	s2 =	sld [smem:$0x3FB0]  }
0x29: {  	s4 =	sld [smem:$0x3FB2]  }
0x2a: {  	p0 =	seq.s32 s5, $0x0;
	s5 =	sld [smem:$0x3FB3]  }
0x2b: {  	s6 =	sld [smem:$0x3FB4]  }
0x2c: {  	s7 =	sld [smem:$0x3FB5]  }
0x2d: {  	s3 =	simm.s32 $0x108;
	s8 =	sld [smem:$0x3FB6]  }
0x2e: {  	s3 =	simm.s32 @!p0 $0x1082;
	s9 =	sld [smem:$0x3FB7]  }
0x2f: {  	lr =	sadd.s32 s0, s3;
	s0 =	sld [smem:$0x3FAE]  }
0x30: {  	s3 =	sld [smem:$0x3FB1]  }
0x31: {  	[smem:$0x3FBA] =	sst s10  }
0x32: {  	s10 =	sld [smem:$0x3FB8];
	_ =	sdelay $0x3  }
0x33: {  	p0 =	seq.s32 s10, $0x1;
	s10 =	sld [smem:$0x3FBA];
	_ =	sdelay $0x3  }
0x34: {  	[smem:$0x3FBA] =	sst s10  }
0x35: {  	s10 =	sld [smem:$0x3FB9];
	_ =	sdelay $0x3  }
0x36: {  	p1 =	seq.s32 s10, $0x1;
	s10 =	sld [smem:$0x3FBA];
	_ =	sdelay $0x3  }
0x37: {  	[smem:$0x3FBA] =	sst s10  }
0x38: {  	s10 =	sld [smem:$0x3FBB]  }
0x39: {  	_ = 	snop;
	(pc) =	sbr.ind lr, $3  }
0x3a: {  	_ = 	snop  }
0x3b: {  	_ = 	snop  }
0x3c: {  	p2 =	seq.s32 s10, $0x1;
	s10 =	sld [smem:$0x3FBA]  }
0x3d: {  	_ =	shalt  }
0x3e: {  	_ =	shalt  }
0x3f: {  	_ =	shalt  }
0x40: {  	_ =	shalt  }
0x41: {  	_ =	shalt  }
0x42: {  	_ =	shalt  }
0x43: {  	_ =	shalt  }
0x44: {  	_ =	shalt  }
0x45: {  	_ =	shalt  }
0x46: {  	_ =	shalt  }
0x47: {  	_ =	shalt  }
0x48: {  	_ =	shalt  }
0x49: {  	_ =	shalt  }
0x4a: {  	_ =	shalt  }
0x4b: {  	_ =	shalt  }
0x4c: {  	_ =	shalt  }
0x4d: {  	_ =	shalt  }
0x4e: {  	_ =	shalt  }
0x4f: {  	_ =	shalt  }
0x50: {  	_ =	shalt  }
0x51: {  	_ =	shalt  }
0x52: {  	_ =	shalt  }
0x53: {  	_ =	shalt  }
0x54: {  	_ =	shalt  }
0x55: {  	_ =	shalt  }
0x56: {  	_ =	shalt  }
0x57: {  	_ =	shalt  }
0x58: {  	_ =	shalt  }
0x59: {  	_ =	shalt  }
0x5a: {  	_ =	shalt  }
0x5b: {  	_ =	shalt  }
0x5c: {  	_ =	shalt  }
0x5d: {  	_ =	shalt  }
0x5e: {  	_ =	shalt  }
0x5f: {  	_ =	shalt  }
0x60: {  	_ =	shalt  }
0x61: {  	_ =	shalt  }
0x62: {  	_ =	shalt  }
0x63: {  	_ =	shalt  }
0x64: {  	_ =	shalt  }
0x65: {  	_ =	shalt  }
0x66: {  	_ =	shalt  }
0x67: {  	_ =	shalt  }
0x68: {  	_ =	shalt  }
0x69: {  	_ =	shalt  }
0x6a: {  	_ =	shalt  }
0x6b: {  	_ =	shalt  }
0x6c: {  	_ =	shalt  }
0x6d: {  	_ =	shalt  }
0x6e: {  	_ =	shalt  }
0x6f: {  	_ =	shalt  }
0x70: {  	_ =	shalt  }
0x71: {  	_ =	shalt  }
0x72: {  	_ =	shalt  }
0x73: {  	_ =	shalt  }
0x74: {  	_ =	shalt  }
0x75: {  	_ =	shalt  }
0x76: {  	_ =	shalt  }
0x77: {  	_ =	shalt  }
0x78: {  	_ =	shalt  }
0x79: {  	_ =	shalt  }
0x7a: {  	_ =	shalt  }
0x7b: {  	_ =	shalt  }
0x7c: {  	_ =	shalt  }
0x7d: {  	_ =	shalt  }
0x7e: {  	_ =	shalt  }
0x7f: {  	_ =	shalt  }
0x80: {  	_ =	shalt  }
0x81: {  	_ =	shalt  }
0x82: {  	_ =	shalt  }
0x83: {  	_ =	shalt  }
0x84: {  	_ =	shalt  }
0x85: {  	_ =	shalt  }
0x86: {  	_ =	shalt  }
0x87: {  	_ =	shalt  }
.Lfunc_end0:
.L_simem_size_0:
called_computation_lowered:
.L_overlay_start_0:
0x88: {  	s2 =	sld [smem:$0x3FD9]  }
0x89: {  	s3 =	sld [smem:$0x3FFE];
	_ =	sdelay $0x1  }
0x8a: {  	s1 =	srdreg.scid  }
0x8b: {  	s0 =	sand.u32 $0x1, s1  }
0x8c: {  	s17 =	sshll.u32 s0, $0xA;
	s2 =	sadd.s32 s3, s2  }
0x8d: {  	s2 =	sadd.s32 s2, s17  }
0x8e: {  	[smem:$0x3FC6] =	sst s2  }
0x8f: {  	_ = 	snop  }
0x90: {  	s2 =	sld [smem:$0x3FC9]  }
0x91: {  	s18 =	sld [smem:$0x3FD0];
	(tm) =	ssettm $0x1  }
0x92: {  	s4 =	sld [smem:$0x3FFB];
	_ =	sdelay $0x3  }
0x93: {  	_ =	strace s4  }
0x94: {  	s4 =	sld [smem:$0x3FFC];
	_ =	sdelay $0x3  }
0x95: {  	_ =	strace s4  }
0x96: {  	s4 =	sld [smem:$0x3FFD];
	_ =	sdelay $0x3  }
0x97: {  	_ =	strace s4  }
0x98: {  	_ =	strace $0x8FFFFFFF  }
0x99: {  	s19 =	sld [smem:$0x3FDB];
	_ =	sdelay $0x1  }
0x9a: {  	s5 =	simm.s32 $_scs_section_size  }
0x9b: {  	s6 =	simm.s32 $_size__tile_overlayer_lowered;
	s7 =	simm.s32 $_tile_overlayer_lowered  }
0x9c: {  	s22 =	simm.s32 $0x1BFF;
	s21 =	sshll.u32 s7, $0x1;
	s4 =	sadd.s32 s5, s19  }
0x9d: {  	s8 =	simm.s32 $0x0;
	s20 =	sshll.u32 s6, $0x1;
	s6 =	sadd.s32 s21, s4  }
0x9e: {  	[timem:s8], [sflag:s22] =	dma.local [hbm:s6], s20  }
0x9f: {  	_ =	swait.ge [sflag:s22], s20  }
0xa0: {  	s5 =	ssub.s32 $0x0, s20;
	[sflag:s22] =	ssyncset.done $0x0  }
0xa1: {  	[sflag:s22] =	ssyncadd.s32 s5;
	_ =	sdelay $0x1  }
0xa2: {  	s23 =	simm.s32 $0x1B8B  }
0xa3: {  	_ =	swait.ge [sflag:s23], $0x1  }
0xa4: {  	[sflag:s23] =	ssyncset.done $0x0  }
0xa5: {  	s25 =	simm.s32 $0x1B8E;
	s24 =	sld [smem:$0x3FFE];
	[sflag:s23] =	ssyncadd.s32 $0xFFFFFFFF  }
0xa6: {  	s26 =	simm.s32 $execute0_lowered;
	[smem:$0x3FD2] =	sst s25  }
0xa7: {  	s6 =	sshll.u32 s26, $0x1;
	_ =	strace $0x80000046;
	[dreg:$0x1] =	wrdreg $0xFFFFFFFF  }
0xa8: {  	s28 =	simm.s32 $_size_execute0_lowered;
	s4 =	sadd.s32 s4, s6;
	[dreg:$0x0] =	wrdreg $0x0  }
0xa9: {  	s6 =	sshll.u32 s28, $0x1;
	[dreg:$0x2] =	wrdreg s4  }
0xaa: {  	[dreg:$0x3] =	wrdreg s6  }
0xab: {  	[dreg:$0x4] =	wrdreg $0xC0  }
0xac: {  	_ =	task [dreg:s8], $0x5FFFF  }
0xad: {  	[dreg:$0x1] =	wrdreg $0xFFFFFFFF  }
0xae: {  	[dreg:$0x0] =	wrdreg $0x60  }
0xaf: {  	[dreg:$0x2] =	wrdreg s2  }
0xb0: {  	[dreg:$0x3] =	wrdreg s24  }
0xb1: {  	[dreg:$0x4] =	wrdreg s18  }
0xb2: {  	[dreg:$0x5] =	wrdreg $0x9  }
0xb3: {  	_ =	task.clear_ibuf [dreg:s8], $0x6FFFF;
	_ =	strace $0x90000046  }
0xb4: {  	s29 =	simm.s32 $0x9;
	_ =	strace $0x80000048  }
0xb5: {  	_ =	swait.ge [sflag:s29], $0x1  }
0xb6: {  	[sflag:s29] =	ssyncadd.s32 $0xFFFFFFFF  }
0xb7: {  	_ =	strace $0x90000048  }
0xb8: {  	_ =	sfence  }
0xb9: {  	s30 =	sld [smem:$0x0];
	_ =	sdelay $0x2  }
0xba: {  	s31 =	sshll.u32 s1, $0xD;
	s1 =	sshrl.u32 s1, $0x2  }
0xbb: {  	s3 =	sand.u32 $0x4000, s31;
	s1 =	sadd.s32 s1, s30  }
0xbc: {  	s0 =	sor.u32 s3, s0;
	s1 =	sshll.u32 s1, $0x11  }
0xbd: {  	s0 =	sor.u32 s1, s0  }
0xbe: {  	s0 =	sadd.s32 $0x8F2B, s0  }
0xbf: {  	[sflag:s0] =	ssyncadd.remote.s32 $0x1  }
0xc0: {  	_ =	sfence.sel $0xFFFF  }
0xc1: {  	[dreg:$0x0] =	wrdreg $0xFFFFFFFF;
	(pc) =	sbr.abs _section_cstart, $3  }
0xc2: {  	[dreg:$0x1] =	wrdreg $0xFFFFFFFF  }
0xc3: {  	_ =	task.clear_ibuf [dreg:s8], $0x2FFFF;
	_ =	strace $0x9FFFFFFF  }
0xc4: {  	(tm) =	ssettm $0x7FFFFFFF  }
0xc5: {  	_ =	shalt  }
tec
execute0_lowered:
.L_overlay_start_1:
0x0: {  	(tag) =	ssettag $0x1  }
0x1: {  	s1 =	rddreg [dreg:$0x0]  }
0x2: {  	s0 =	srdreg.scid;
	s3 =	stileid.u32  }
0x3: {  	s2 =	rddreg [dreg:$0x1];
	s0 =	sand.u32 $0x1, s0;
	s3 =	sshll.u32 s3, $0x1  }
0x4: {  	s4 =	rddreg [dreg:$0x2];
	s5 =	sor.u32 s0, s3  }
0x5: {  	s3 =	simm.s32 $0x0;
	s6 =	sshll.u32 s5, $0x8;
	s5 =	sshll.u32 s5, $0x10  }
0x6: {  	[smem:$0x7FF] =	sst s3;
	s2 =	sadd.s32 s6, s2;
	s12 =	sadd.s32 s4, s5  }
0x7: {  	_ =	strace $0x80000047;
	s2 =	sadd.s32 $0x400, s2;
	[dreg:$0x14] =	wrdreg s12  }
0x8: {  	s15 =	sadd.s32 $0x1000, s12;
	[dreg:$0x4] =	wrdreg s2  }
0x9: {  	s16 =	sadd.s32 $0x2000, s12;
	[dreg:$0x5] =	wrdreg s15  }
0xa: {  	s17 =	sadd.s32 $0x3000, s12;
	[dreg:$0x6] =	wrdreg s16  }
0xb: {  	s7 =	sadd.s32 $0x300, s1;
	s18 =	sadd.s32 $0x4000, s12;
	[dreg:$0x7] =	wrdreg s17  }
0xc: {  	s8 =	sadd.s32 $0x400, s1;
	s19 =	sadd.s32 $0x5000, s12;
	[dreg:$0x8] =	wrdreg s18  }
0xd: {  	s9 =	sadd.s32 $0x500, s1;
	s20 =	sadd.s32 $0x6000, s12;
	[dreg:$0x9] =	wrdreg s19  }
0xe: {  	s10 =	sadd.s32 $0x600, s1;
	s22 =	sadd.s32 $0x7000, s12;
	[dreg:$0xa] =	wrdreg s20  }
0xf: {  	s11 =	sadd.s32 $0x700, s1;
	s23 =	sadd.s32 $0x8000, s12;
	[dreg:$0xb] =	wrdreg s22  }
0x10: {  	s0 =	ssub.s32 $0x2, s0;
	s24 =	sadd.s32 $0x9000, s12;
	[dreg:$0xc] =	wrdreg s23  }
0x11: {  	s21 =	sshrl.u32 s0, $0x1;
	s25 =	sadd.s32 $0xA000, s12;
	[dreg:$0xd] =	wrdreg s24  }
0x12: {  	s0 =	ssub.s32 s0, s21;
	s26 =	sadd.s32 $0xB000, s12;
	[dreg:$0xe] =	wrdreg s25  }
0x13: {  	s5 =	sadd.s32 $0x100, s1;
	s28 =	sadd.s32 $0xC000, s12;
	[dreg:$0xf] =	wrdreg s26  }
0x14: {  	s6 =	sadd.s32 $0x200, s1;
	s29 =	sadd.s32 $0xD000, s12;
	[dreg:$0x10] =	wrdreg s28  }
0x15: {  	s21 =	simm.s32 $0x2;
	s30 =	sadd.s32 $0xE000, s12;
	[dreg:$0x11] =	wrdreg s29  }
0x16: {  	v2 =	vlaneseq.u32;
	s31 =	sadd.s32 $0xF000, s12;
	s12 =	smax.u32 s0, $0x1;
	[dreg:$0x12] =	wrdreg s30  }
0x17: {  	vm0 =	vmmov $0xffff;
	v1 =	vshrl.u32 v2, $0x3;
	s0 =	simm.s32 $0x4;
	[dreg:$0x13] =	wrdreg s31;
	s2 =	simm.s32 $0x1  }
0x18: {  	v0 =	vand.u32 $0x7, v2;
	v2 =	vor.u32 $0x8, v2;
	v1 =	vmul.u32 $0x8, v1;
	s15 =	simm.s32 $0x5;
	s16 =	simm.s32 $0x3;
	s17 =	simm.s32 $0x6  }
.LBB2_1:
0x19: {  	[dreg:$0x15] =	wrdreg s12  }
0x1a: {  	s18 =	rddreg [dreg:$0x4];
	s30 =	simm.s32 $0x7  }
0x1b: {  	[tilespmem:s3], [sflag:$0x7] =	stream.linear.gather [hbm4b:s18+s3], $0x800, $0x38;
	[tilespmem:$0x18800] =	vst v63  }
0x1c: {  	_ =	swait.ge [sflag:s30], $0x800  }
0x1d: {  	[sflag:s30] =	ssyncset.done $0x0  }
0x1e: {  	[sflag:s30] =	ssyncadd.s32 $0xFFFFF800  }
0x1f: {  	v3 =	vld [tilespmem:$0x0];
	_ =	sdelay $0x4  }
0x20: {  	v4 =	vshll.u32 v3, $0x4  }
0x21: {  	v3 =	vand.u32 $0x7, v3;
	v4 =	vand.u32 $0xFFFFFF80, v4  }
0x22: {  	v3 =	vor.u32 v3, v4  }
0x23: {  	v4 =	vperm.xlane v3, v0;
	_ =	sdelay $0x1  }
0x24: {  	v4 =	vadd.s32 v1, v4;
	_ =	sdelay $0x3  }
0x25: {  	s31 =	simm.s32 $0x800  }
0x26: {  	[tilespmem:s31], [sflag:$0x1] =	stream.indirect_vreg.gather [hbm4b:s1+s3], $0x80, v4, vm0, $0xb8;
	[tilespmem:$0x18800] =	vst v63  }
0x27: {  	s4 =	simm.s32 $0x1000  }
0x28: {  	[tilespmem:s4], [sflag:$0x1] =	stream.indirect_vreg.gather [hbm4b:s5+s3], $0x80, v4, vm0, $0xb8;
	[tilespmem:$0x18800] =	vst v63  }
0x29: {  	s13 =	simm.s32 $0x1800  }
0x2a: {  	[tilespmem:s13], [sflag:$0x1] =	stream.indirect_vreg.gather [hbm4b:s6+s3], $0x80, v4, vm0, $0xb8;
	[tilespmem:$0x18800] =	vst v63  }
0x2b: {  	s14 =	simm.s32 $0x2000  }
0x2c: {  	[tilespmem:s14], [sflag:$0x1] =	stream.indirect_vreg.gather [hbm4b:s7+s3], $0x80, v4, vm0, $0xb8;
	[tilespmem:$0x18800] =	vst v63  }
0x2d: {  	s19 =	simm.s32 $0x2800  }
0x2e: {  	[tilespmem:s19], [sflag:$0x1] =	stream.indirect_vreg.gather [hbm4b:s8+s3], $0x80, v4, vm0, $0xb8;
	[tilespmem:$0x18800] =	vst v63  }
0x2f: {  	s20 =	simm.s32 $0x3000;
	v3 =	vperm.xlane v3, v2  }
0x30: {  	[tilespmem:s20], [sflag:$0x1] =	stream.indirect_vreg.gather [hbm4b:s9+s3], $0x80, v4, vm0, $0xb8;
	[tilespmem:$0x18800] =	vst v63  }
0x31: {  	s22 =	simm.s32 $0x3800;
	v3 =	vadd.s32 v1, v3  }
0x32: {  	[tilespmem:s22], [sflag:$0x1] =	stream.indirect_vreg.gather [hbm4b:s10+s3], $0x80, v4, vm0, $0xb8;
	[tilespmem:$0x18800] =	vst v63  }
0x33: {  	s23 =	simm.s32 $0x4000  }
0x34: {  	[tilespmem:s23], [sflag:$0x1] =	stream.indirect_vreg.gather [hbm4b:s11+s3], $0x80, v4, vm0, $0xb8;
	[tilespmem:$0x18800] =	vst v63  }
0x35: {  	s24 =	simm.s32 $0x4800  }
0x36: {  	[tilespmem:s24], [sflag:$0x1] =	stream.indirect_vreg.gather [hbm4b:s1+s3], $0x80, v3, vm0, $0xb8;
	[tilespmem:$0x18800] =	vst v63  }
0x37: {  	s25 =	simm.s32 $0x5000  }
0x38: {  	[tilespmem:s25], [sflag:$0x1] =	stream.indirect_vreg.gather [hbm4b:s5+s3], $0x80, v3, vm0, $0xb8;
	[tilespmem:$0x18800] =	vst v63  }
0x39: {  	s26 =	simm.s32 $0x5800  }
0x3a: {  	[tilespmem:s26], [sflag:$0x1] =	stream.indirect_vreg.gather [hbm4b:s6+s3], $0x80, v3, vm0, $0xb8;
	[tilespmem:$0x18800] =	vst v63  }
0x3b: {  	s28 =	simm.s32 $0x6000  }
0x3c: {  	[tilespmem:s28], [sflag:$0x1] =	stream.indirect_vreg.gather [hbm4b:s7+s3], $0x80, v3, vm0, $0xb8;
	[tilespmem:$0x18800] =	vst v63  }
0x3d: {  	s29 =	simm.s32 $0x6800  }
0x3e: {  	[tilespmem:s29], [sflag:$0x1] =	stream.indirect_vreg.gather [hbm4b:s8+s3], $0x80, v3, vm0, $0xb8;
	[tilespmem:$0x18800] =	vst v63  }
0x3f: {  	s4 =	simm.s32 $0x7000  }
0x40: {  	[tilespmem:s4], [sflag:$0x1] =	stream.indirect_vreg.gather [hbm4b:s9+s3], $0x80, v3, vm0, $0xb8;
	[tilespmem:$0x18800] =	vst v63  }
0x41: {  	s13 =	simm.s32 $0x7800  }
0x42: {  	[tilespmem:s13], [sflag:$0x1] =	stream.indirect_vreg.gather [hbm4b:s10+s3], $0x80, v3, vm0, $0xb8;
	[tilespmem:$0x18800] =	vst v63  }
0x43: {  	s14 =	simm.s32 $0x8000  }
0x44: {  	[tilespmem:s14], [sflag:$0x1] =	stream.indirect_vreg.gather [hbm4b:s11+s3], $0x80, v3, vm0, $0xb8;
	[tilespmem:$0x18800] =	vst v63  }
0x45: {  	v3 =	vld [tilespmem:$0x80];
	_ =	sdelay $0x4  }
0x46: {  	v49 =	vshll.u32 v3, $0x4  }
0x47: {  	v3 =	vand.u32 $0x7, v3;
	v4 =	vand.u32 $0xFFFFFF80, v49  }
0x48: {  	v3 =	vor.u32 v3, v4  }
0x49: {  	v4 =	vperm.xlane v3, v0;
	_ =	sdelay $0x1  }
0x4a: {  	v4 =	vadd.s32 v1, v4;
	_ =	sdelay $0x3  }
0x4b: {  	s14 =	simm.s32 $0x8800  }
0x4c: {  	[tilespmem:s14], [sflag:$0x2] =	stream.indirect_vreg.gather [hbm4b:s1+s3], $0x80, v4, vm0, $0xb8;
	[tilespmem:$0x18800] =	vst v63  }
0x4d: {  	s22 =	simm.s32 $0x9000  }
0x4e: {  	[tilespmem:s22], [sflag:$0x2] =	stream.indirect_vreg.gather [hbm4b:s5+s3], $0x80, v4, vm0, $0xb8;
	[tilespmem:$0x18800] =	vst v63  }
0x4f: {  	s4 =	simm.s32 $0x9800  }
0x50: {  	[tilespmem:s4], [sflag:$0x2] =	stream.indirect_vreg.gather [hbm4b:s6+s3], $0x80, v4, vm0, $0xb8;
	[tilespmem:$0x18800] =	vst v63  }
0x51: {  	s18 =	simm.s32 $0xA000  }
0x52: {  	[tilespmem:s18], [sflag:$0x2] =	stream.indirect_vreg.gather [hbm4b:s7+s3], $0x80, v4, vm0, $0xb8;
	[tilespmem:$0x18800] =	vst v63  }
0x53: {  	s22 =	simm.s32 $0xA800  }
0x54: {  	[tilespmem:s22], [sflag:$0x2] =	stream.indirect_vreg.gather [hbm4b:s8+s3], $0x80, v4, vm0, $0xb8;
	[tilespmem:$0x18800] =	vst v63  }
0x55: {  	v3 =	vperm.xlane v3, v2;
	s4 =	simm.s32 $0xB000  }
0x56: {  	[tilespmem:s4], [sflag:$0x2] =	stream.indirect_vreg.gather [hbm4b:s9+s3], $0x80, v4, vm0, $0xb8;
	[tilespmem:$0x18800] =	vst v63  }
0x57: {  	v3 =	vadd.s32 v1, v3;
	s18 =	simm.s32 $0xB800  }
0x58: {  	[tilespmem:s18], [sflag:$0x2] =	stream.indirect_vreg.gather [hbm4b:s10+s3], $0x80, v4, vm0, $0xb8;
	[tilespmem:$0x18800] =	vst v63  }
0x59: {  	s4 =	simm.s32 $0xC000  }
0x5a: {  	[tilespmem:s4], [sflag:$0x2] =	stream.indirect_vreg.gather [hbm4b:s11+s3], $0x80, v4, vm0, $0xb8;
	[tilespmem:$0x18800] =	vst v63  }
0x5b: {  	s18 =	simm.s32 $0xC800  }
0x5c: {  	[tilespmem:s18], [sflag:$0x2] =	stream.indirect_vreg.gather [hbm4b:s1+s3], $0x80, v3, vm0, $0xb8;
	[tilespmem:$0x18800] =	vst v63  }
0x5d: {  	s4 =	simm.s32 $0xD000  }
0x5e: {  	[tilespmem:s4], [sflag:$0x2] =	stream.indirect_vreg.gather [hbm4b:s5+s3], $0x80, v3, vm0, $0xb8;
	[tilespmem:$0x18800] =	vst v63  }
0x5f: {  	s18 =	simm.s32 $0xD800  }
0x60: {  	[tilespmem:s18], [sflag:$0x2] =	stream.indirect_vreg.gather [hbm4b:s6+s3], $0x80, v3, vm0, $0xb8;
	[tilespmem:$0x18800] =	vst v63  }
0x61: {  	s4 =	simm.s32 $0xE000  }
0x62: {  	[tilespmem:s4], [sflag:$0x2] =	stream.indirect_vreg.gather [hbm4b:s7+s3], $0x80, v3, vm0, $0xb8;
	[tilespmem:$0x18800] =	vst v63  }
0x63: {  	s18 =	simm.s32 $0xE800  }
0x64: {  	[tilespmem:s18], [sflag:$0x2] =	stream.indirect_vreg.gather [hbm4b:s8+s3], $0x80, v3, vm0, $0xb8;
	[tilespmem:$0x18800] =	vst v63  }
0x65: {  	s4 =	simm.s32 $0xF000  }
0x66: {  	[tilespmem:s4], [sflag:$0x2] =	stream.indirect_vreg.gather [hbm4b:s9+s3], $0x80, v3, vm0, $0xb8;
	[tilespmem:$0x18800] =	vst v63  }
0x67: {  	s18 =	simm.s32 $0xF800  }
0x68: {  	[tilespmem:s18], [sflag:$0x2] =	stream.indirect_vreg.gather [hbm4b:s10+s3], $0x80, v3, vm0, $0xb8;
	[tilespmem:$0x18800] =	vst v63  }
0x69: {  	s4 =	simm.s32 $0x10000  }
0x6a: {  	[tilespmem:s4], [sflag:$0x2] =	stream.indirect_vreg.gather [hbm4b:s11+s3], $0x80, v3, vm0, $0xb8;
	[tilespmem:$0x18800] =	vst v63  }
0x6b: {  	v3 =	vld [tilespmem:$0x100];
	_ =	sdelay $0x4  }
0x6c: {  	v50 =	vshll.u32 v3, $0x4  }
0x6d: {  	v3 =	vand.u32 $0x7, v3;
	v4 =	vand.u32 $0xFFFFFF80, v50  }
0x6e: {  	v3 =	vor.u32 v3, v4  }
0x6f: {  	v4 =	vperm.xlane v3, v0;
	_ =	sdelay $0x1  }
0x70: {  	v4 =	vadd.s32 v1, v4;
	_ =	sdelay $0x3  }
0x71: {  	s4 =	simm.s32 $0x10800  }
0x72: {  	[tilespmem:s4], [sflag:$0x3] =	stream.indirect_vreg.gather [hbm4b:s1+s3], $0x80, v4, vm0, $0xb8;
	[tilespmem:$0x18800] =	vst v63  }
0x73: {  	s14 =	simm.s32 $0x11000  }
0x74: {  	[tilespmem:s14], [sflag:$0x3] =	stream.indirect_vreg.gather [hbm4b:s5+s3], $0x80, v4, vm0, $0xb8;
	[tilespmem:$0x18800] =	vst v63  }
0x75: {  	s14 =	simm.s32 $0x11800  }
0x76: {  	[tilespmem:s14], [sflag:$0x3] =	stream.indirect_vreg.gather [hbm4b:s6+s3], $0x80, v4, vm0, $0xb8;
	[tilespmem:$0x18800] =	vst v63  }
0x77: {  	s14 =	simm.s32 $0x12000  }
0x78: {  	[tilespmem:s14], [sflag:$0x3] =	stream.indirect_vreg.gather [hbm4b:s7+s3], $0x80, v4, vm0, $0xb8;
	[tilespmem:$0x18800] =	vst v63  }
0x79: {  	s14 =	simm.s32 $0x12800  }
0x7a: {  	[tilespmem:s14], [sflag:$0x3] =	stream.indirect_vreg.gather [hbm4b:s8+s3], $0x80, v4, vm0, $0xb8;
	[tilespmem:$0x18800] =	vst v63  }
0x7b: {  	v3 =	vperm.xlane v3, v2;
	s14 =	simm.s32 $0x13000  }
0x7c: {  	[tilespmem:s14], [sflag:$0x3] =	stream.indirect_vreg.gather [hbm4b:s9+s3], $0x80, v4, vm0, $0xb8;
	[tilespmem:$0x18800] =	vst v63  }
0x7d: {  	v3 =	vadd.s32 v1, v3;
	s14 =	simm.s32 $0x13800  }
0x7e: {  	[tilespmem:s14], [sflag:$0x3] =	stream.indirect_vreg.gather [hbm4b:s10+s3], $0x80, v4, vm0, $0xb8;
	[tilespmem:$0x18800] =	vst v63  }
0x7f: {  	s14 =	simm.s32 $0x14000  }
0x80: {  	[tilespmem:s14], [sflag:$0x3] =	stream.indirect_vreg.gather [hbm4b:s11+s3], $0x80, v4, vm0, $0xb8;
	[tilespmem:$0x18800] =	vst v63  }
0x81: {  	s14 =	simm.s32 $0x14800  }
0x82: {  	[tilespmem:s14], [sflag:$0x3] =	stream.indirect_vreg.gather [hbm4b:s1+s3], $0x80, v3, vm0, $0xb8;
	[tilespmem:$0x18800] =	vst v63  }
0x83: {  	s14 =	simm.s32 $0x15000  }
0x84: {  	[tilespmem:s14], [sflag:$0x3] =	stream.indirect_vreg.gather [hbm4b:s5+s3], $0x80, v3, vm0, $0xb8;
	[tilespmem:$0x18800] =	vst v63  }
0x85: {  	s14 =	simm.s32 $0x15800  }
0x86: {  	[tilespmem:s14], [sflag:$0x3] =	stream.indirect_vreg.gather [hbm4b:s6+s3], $0x80, v3, vm0, $0xb8;
	[tilespmem:$0x18800] =	vst v63  }
0x87: {  	s14 =	simm.s32 $0x16000  }
0x88: {  	[tilespmem:s14], [sflag:$0x3] =	stream.indirect_vreg.gather [hbm4b:s7+s3], $0x80, v3, vm0, $0xb8;
	[tilespmem:$0x18800] =	vst v63  }
0x89: {  	s14 =	simm.s32 $0x16800  }
0x8a: {  	[tilespmem:s14], [sflag:$0x3] =	stream.indirect_vreg.gather [hbm4b:s8+s3], $0x80, v3, vm0, $0xb8;
	[tilespmem:$0x18800] =	vst v63  }
0x8b: {  	s14 =	simm.s32 $0x17000  }
0x8c: {  	[tilespmem:s14], [sflag:$0x3] =	stream.indirect_vreg.gather [hbm4b:s9+s3], $0x80, v3, vm0, $0xb8;
	[tilespmem:$0x18800] =	vst v63  }
0x8d: {  	s14 =	simm.s32 $0x17800  }
0x8e: {  	[tilespmem:s14], [sflag:$0x3] =	stream.indirect_vreg.gather [hbm4b:s10+s3], $0x80, v3, vm0, $0xb8;
	[tilespmem:$0x18800] =	vst v63  }
0x8f: {  	s14 =	simm.s32 $0x18000  }
0x90: {  	[tilespmem:s14], [sflag:$0x3] =	stream.indirect_vreg.gather [hbm4b:s11+s3], $0x80, v3, vm0, $0xb8;
	[tilespmem:$0x18800] =	vst v63  }
0x91: {  	_ =	swait.ge [sflag:s2], $0x8000  }
0x92: {  	[sflag:s2] =	ssyncset.done $0x0  }
0x93: {  	s12 =	simm.s32 $0x800;
	s14 =	rddreg [dreg:$0x14];
	[sflag:s2] =	ssyncadd.s32 $0xFFFF8000  }
0x94: {  	[hbm4b:s14+s3] =	stream.linear.scatter [tilespmem:s12], [sflag:$0x4], $0x8000, $0x38;
	[tilespmem:$0x18800] =	vst v63  }
0x95: {  	_ =	swait.ge [sflag:s0], $0x8000  }
0x96: {  	[sflag:s0] =	ssyncset.done $0x0  }
0x97: {  	[sflag:s0] =	ssyncadd.s32 $0xFFFF8000  }
0x98: {  	v3 =	vld [tilespmem:$0x180];
	_ =	sdelay $0x4  }
0x99: {  	v51 =	vshll.u32 v3, $0x4  }
0x9a: {  	v3 =	vand.u32 $0x7, v3;
	v4 =	vand.u32 $0xFFFFFF80, v51  }
0x9b: {  	v3 =	vor.u32 v3, v4  }
0x9c: {  	v4 =	vperm.xlane v3, v0;
	_ =	sdelay $0x1  }
0x9d: {  	v4 =	vadd.s32 v1, v4;
	_ =	sdelay $0x4  }
0x9e: {  	[tilespmem:s12], [sflag:$0x1] =	stream.indirect_vreg.gather [hbm4b:s1+s3], $0x80, v4, vm0, $0xb8;
	[tilespmem:$0x18800] =	vst v63  }
0x9f: {  	s30 =	simm.s32 $0x1000  }
0xa0: {  	[tilespmem:s30], [sflag:$0x1] =	stream.indirect_vreg.gather [hbm4b:s5+s3], $0x80, v4, vm0, $0xb8;
	[tilespmem:$0x18800] =	vst v63  }
0xa1: {  	s14 =	simm.s32 $0x1800  }
0xa2: {  	[tilespmem:s14], [sflag:$0x1] =	stream.indirect_vreg.gather [hbm4b:s6+s3], $0x80, v4, vm0, $0xb8;
	[tilespmem:$0x18800] =	vst v63  }
0xa3: {  	s18 =	simm.s32 $0x2000  }
0xa4: {  	[tilespmem:s18], [sflag:$0x1] =	stream.indirect_vreg.gather [hbm4b:s7+s3], $0x80, v4, vm0, $0xb8;
	[tilespmem:$0x18800] =	vst v63  }
0xa5: {  	s31 =	simm.s32 $0x2800  }
0xa6: {  	[tilespmem:s31], [sflag:$0x1] =	stream.indirect_vreg.gather [hbm4b:s8+s3], $0x80, v4, vm0, $0xb8;
	[tilespmem:$0x18800] =	vst v63  }
0xa7: {  	s20 =	simm.s32 $0x3000;
	v3 =	vperm.xlane v3, v2  }
0xa8: {  	[tilespmem:s20], [sflag:$0x1] =	stream.indirect_vreg.gather [hbm4b:s9+s3], $0x80, v4, vm0, $0xb8;
	[tilespmem:$0x18800] =	vst v63  }
0xa9: {  	v3 =	vadd.s32 v1, v3;
	s30 =	simm.s32 $0x3800  }
0xaa: {  	[tilespmem:s30], [sflag:$0x1] =	stream.indirect_vreg.gather [hbm4b:s10+s3], $0x80, v4, vm0, $0xb8;
	[tilespmem:$0x18800] =	vst v63  }
0xab: {  	s31 =	simm.s32 $0x4000  }
0xac: {  	[tilespmem:s31], [sflag:$0x1] =	stream.indirect_vreg.gather [hbm4b:s11+s3], $0x80, v4, vm0, $0xb8;
	[tilespmem:$0x18800] =	vst v63  }
0xad: {  	s19 =	simm.s32 $0x4800  }
0xae: {  	[tilespmem:s19], [sflag:$0x1] =	stream.indirect_vreg.gather [hbm4b:s1+s3], $0x80, v3, vm0, $0xb8;
	[tilespmem:$0x18800] =	vst v63  }
0xaf: {  	s23 =	simm.s32 $0x5000  }
0xb0: {  	[tilespmem:s23], [sflag:$0x1] =	stream.indirect_vreg.gather [hbm4b:s5+s3], $0x80, v3, vm0, $0xb8;
	[tilespmem:$0x18800] =	vst v63  }
0xb1: {  	s24 =	simm.s32 $0x5800  }
0xb2: {  	[tilespmem:s24], [sflag:$0x1] =	stream.indirect_vreg.gather [hbm4b:s6+s3], $0x80, v3, vm0, $0xb8;
	[tilespmem:$0x18800] =	vst v63  }
0xb3: {  	s25 =	simm.s32 $0x6000  }
0xb4: {  	[tilespmem:s25], [sflag:$0x1] =	stream.indirect_vreg.gather [hbm4b:s7+s3], $0x80, v3, vm0, $0xb8;
	[tilespmem:$0x18800] =	vst v63  }
0xb5: {  	s26 =	simm.s32 $0x6800  }
0xb6: {  	[tilespmem:s26], [sflag:$0x1] =	stream.indirect_vreg.gather [hbm4b:s8+s3], $0x80, v3, vm0, $0xb8;
	[tilespmem:$0x18800] =	vst v63  }
0xb7: {  	s28 =	simm.s32 $0x7000  }
0xb8: {  	[tilespmem:s28], [sflag:$0x1] =	stream.indirect_vreg.gather [hbm4b:s9+s3], $0x80, v3, vm0, $0xb8;
	[tilespmem:$0x18800] =	vst v63  }
0xb9: {  	s29 =	simm.s32 $0x7800  }
0xba: {  	[tilespmem:s29], [sflag:$0x1] =	stream.indirect_vreg.gather [hbm4b:s10+s3], $0x80, v3, vm0, $0xb8;
	[tilespmem:$0x18800] =	vst v63  }
0xbb: {  	s13 =	simm.s32 $0x8000  }
0xbc: {  	[tilespmem:s13], [sflag:$0x1] =	stream.indirect_vreg.gather [hbm4b:s11+s3], $0x80, v3, vm0, $0xb8;
	[tilespmem:$0x18800] =	vst v63  }
0xbd: {  	_ =	swait.ge [sflag:s21], $0x8000  }
0xbe: {  	[sflag:s21] =	ssyncset.done $0x0  }
0xbf: {  	s14 =	simm.s32 $0x8800;
	s13 =	rddreg [dreg:$0x5];
	[sflag:s21] =	ssyncadd.s32 $0xFFFF8000  }
0xc0: {  	[hbm4b:s13+s3] =	stream.linear.scatter [tilespmem:s14], [sflag:$0x5], $0x8000, $0x38;
	[tilespmem:$0x18800] =	vst v63  }
0xc1: {  	_ =	swait.ge [sflag:s15], $0x8000  }
0xc2: {  	[sflag:s15] =	ssyncset.done $0x0  }
0xc3: {  	[sflag:s15] =	ssyncadd.s32 $0xFFFF8000  }
0xc4: {  	v3 =	vld [tilespmem:$0x200];
	_ =	sdelay $0x4  }
0xc5: {  	v52 =	vshll.u32 v3, $0x4  }
0xc6: {  	v3 =	vand.u32 $0x7, v3;
	v4 =	vand.u32 $0xFFFFFF80, v52  }
0xc7: {  	v3 =	vor.u32 v3, v4  }
0xc8: {  	v4 =	vperm.xlane v3, v0;
	_ =	sdelay $0x1  }
0xc9: {  	v4 =	vadd.s32 v1, v4;
	_ =	sdelay $0x4  }
0xca: {  	[tilespmem:s14], [sflag:$0x2] =	stream.indirect_vreg.gather [hbm4b:s1+s3], $0x80, v4, vm0, $0xb8;
	[tilespmem:$0x18800] =	vst v63  }
0xcb: {  	s18 =	simm.s32 $0x9000  }
0xcc: {  	[tilespmem:s18], [sflag:$0x2] =	stream.indirect_vreg.gather [hbm4b:s5+s3], $0x80, v4, vm0, $0xb8;
	[tilespmem:$0x18800] =	vst v63  }
0xcd: {  	s23 =	simm.s32 $0x9800  }
0xce: {  	[tilespmem:s23], [sflag:$0x2] =	stream.indirect_vreg.gather [hbm4b:s6+s3], $0x80, v4, vm0, $0xb8;
	[tilespmem:$0x18800] =	vst v63  }
0xcf: {  	s24 =	simm.s32 $0xA000  }
0xd0: {  	[tilespmem:s24], [sflag:$0x2] =	stream.indirect_vreg.gather [hbm4b:s7+s3], $0x80, v4, vm0, $0xb8;
	[tilespmem:$0x18800] =	vst v63  }
0xd1: {  	s22 =	simm.s32 $0xA800  }
0xd2: {  	[tilespmem:s22], [sflag:$0x2] =	stream.indirect_vreg.gather [hbm4b:s8+s3], $0x80, v4, vm0, $0xb8;
	[tilespmem:$0x18800] =	vst v63  }
0xd3: {  	v3 =	vperm.xlane v3, v2;
	s14 =	simm.s32 $0xB000  }
0xd4: {  	[tilespmem:s14], [sflag:$0x2] =	stream.indirect_vreg.gather [hbm4b:s9+s3], $0x80, v4, vm0, $0xb8;
	[tilespmem:$0x18800] =	vst v63  }
0xd5: {  	s25 =	simm.s32 $0xB800;
	v3 =	vadd.s32 v1, v3  }
0xd6: {  	[tilespmem:s25], [sflag:$0x2] =	stream.indirect_vreg.gather [hbm4b:s10+s3], $0x80, v4, vm0, $0xb8;
	[tilespmem:$0x18800] =	vst v63  }
0xd7: {  	s26 =	simm.s32 $0xC000  }
0xd8: {  	[tilespmem:s26], [sflag:$0x2] =	stream.indirect_vreg.gather [hbm4b:s11+s3], $0x80, v4, vm0, $0xb8;
	[tilespmem:$0x18800] =	vst v63  }
0xd9: {  	s28 =	simm.s32 $0xC800  }
0xda: {  	[tilespmem:s28], [sflag:$0x2] =	stream.indirect_vreg.gather [hbm4b:s1+s3], $0x80, v3, vm0, $0xb8;
	[tilespmem:$0x18800] =	vst v63  }
0xdb: {  	s29 =	simm.s32 $0xD000  }
0xdc: {  	[tilespmem:s29], [sflag:$0x2] =	stream.indirect_vreg.gather [hbm4b:s5+s3], $0x80, v3, vm0, $0xb8;
	[tilespmem:$0x18800] =	vst v63  }
0xdd: {  	s30 =	simm.s32 $0xD800  }
0xde: {  	[tilespmem:s30], [sflag:$0x2] =	stream.indirect_vreg.gather [hbm4b:s6+s3], $0x80, v3, vm0, $0xb8;
	[tilespmem:$0x18800] =	vst v63  }
0xdf: {  	s31 =	simm.s32 $0xE000  }
0xe0: {  	[tilespmem:s31], [sflag:$0x2] =	stream.indirect_vreg.gather [hbm4b:s7+s3], $0x80, v3, vm0, $0xb8;
	[tilespmem:$0x18800] =	vst v63  }
0xe1: {  	s20 =	simm.s32 $0xE800  }
0xe2: {  	[tilespmem:s20], [sflag:$0x2] =	stream.indirect_vreg.gather [hbm4b:s8+s3], $0x80, v3, vm0, $0xb8;
	[tilespmem:$0x18800] =	vst v63  }
0xe3: {  	s13 =	simm.s32 $0xF000  }
0xe4: {  	[tilespmem:s13], [sflag:$0x2] =	stream.indirect_vreg.gather [hbm4b:s9+s3], $0x80, v3, vm0, $0xb8;
	[tilespmem:$0x18800] =	vst v63  }
0xe5: {  	s22 =	simm.s32 $0xF800  }
0xe6: {  	[tilespmem:s22], [sflag:$0x2] =	stream.indirect_vreg.gather [hbm4b:s10+s3], $0x80, v3, vm0, $0xb8;
	[tilespmem:$0x18800] =	vst v63  }
0xe7: {  	s12 =	simm.s32 $0x10000  }
0xe8: {  	[tilespmem:s12], [sflag:$0x2] =	stream.indirect_vreg.gather [hbm4b:s11+s3], $0x80, v3, vm0, $0xb8;
	[tilespmem:$0x18800] =	vst v63  }
0xe9: {  	_ =	swait.ge [sflag:s16], $0x8000  }
0xea: {  	[sflag:s16] =	ssyncset.done $0x0  }
0xeb: {  	s4 =	simm.s32 $0x10800;
	s19 =	rddreg [dreg:$0x6];
	[sflag:s16] =	ssyncadd.s32 $0xFFFF8000  }
0xec: {  	[hbm4b:s19+s3] =	stream.linear.scatter [tilespmem:s4], [sflag:$0x6], $0x8000, $0x38;
	[tilespmem:$0x18800] =	vst v63  }
0xed: {  	_ =	swait.ge [sflag:s17], $0x8000  }
0xee: {  	[sflag:s17] =	ssyncset.done $0x0  }
0xef: {  	[sflag:s17] =	ssyncadd.s32 $0xFFFF8000  }
0xf0: {  	v3 =	vld [tilespmem:$0x280];
	_ =	sdelay $0x4  }
0xf1: {  	v53 =	vshll.u32 v3, $0x4  }
0xf2: {  	v3 =	vand.u32 $0x7, v3;
	v4 =	vand.u32 $0xFFFFFF80, v53  }
0xf3: {  	v3 =	vor.u32 v3, v4  }
0xf4: {  	v4 =	vperm.xlane v3, v0;
	_ =	sdelay $0x1  }
0xf5: {  	v4 =	vadd.s32 v1, v4;
	_ =	sdelay $0x4  }
0xf6: {  	[tilespmem:s4], [sflag:$0x3] =	stream.indirect_vreg.gather [hbm4b:s1+s3], $0x80, v4, vm0, $0xb8;
	[tilespmem:$0x18800] =	vst v63  }
0xf7: {  	s19 =	simm.s32 $0x11000  }
0xf8: {  	[tilespmem:s19], [sflag:$0x3] =	stream.indirect_vreg.gather [hbm4b:s5+s3], $0x80, v4, vm0, $0xb8;
	[tilespmem:$0x18800] =	vst v63  }
0xf9: {  	s18 =	simm.s32 $0x11800  }
0xfa: {  	[tilespmem:s18], [sflag:$0x3] =	stream.indirect_vreg.gather [hbm4b:s6+s3], $0x80, v4, vm0, $0xb8;
	[tilespmem:$0x18800] =	vst v63  }
0xfb: {  	s19 =	simm.s32 $0x12000  }
0xfc: {  	[tilespmem:s19], [sflag:$0x3] =	stream.indirect_vreg.gather [hbm4b:s7+s3], $0x80, v4, vm0, $0xb8;
	[tilespmem:$0x18800] =	vst v63  }
0xfd: {  	s18 =	simm.s32 $0x12800  }
0xfe: {  	[tilespmem:s18], [sflag:$0x3] =	stream.indirect_vreg.gather [hbm4b:s8+s3], $0x80, v4, vm0, $0xb8;
	[tilespmem:$0x18800] =	vst v63  }
0xff: {  	v3 =	vperm.xlane v3, v2;
	s19 =	simm.s32 $0x13000  }
0x100: {  	[tilespmem:s19], [sflag:$0x3] =	stream.indirect_vreg.gather [hbm4b:s9+s3], $0x80, v4, vm0, $0xb8;
	[tilespmem:$0x18800] =	vst v63  }
0x101: {  	v3 =	vadd.s32 v1, v3;
	s18 =	simm.s32 $0x13800  }
0x102: {  	[tilespmem:s18], [sflag:$0x3] =	stream.indirect_vreg.gather [hbm4b:s10+s3], $0x80, v4, vm0, $0xb8;
	[tilespmem:$0x18800] =	vst v63  }
0x103: {  	s19 =	simm.s32 $0x14000  }
0x104: {  	[tilespmem:s19], [sflag:$0x3] =	stream.indirect_vreg.gather [hbm4b:s11+s3], $0x80, v4, vm0, $0xb8;
	[tilespmem:$0x18800] =	vst v63  }
0x105: {  	s18 =	simm.s32 $0x14800  }
0x106: {  	[tilespmem:s18], [sflag:$0x3] =	stream.indirect_vreg.gather [hbm4b:s1+s3], $0x80, v3, vm0, $0xb8;
	[tilespmem:$0x18800] =	vst v63  }
0x107: {  	s19 =	simm.s32 $0x15000  }
0x108: {  	[tilespmem:s19], [sflag:$0x3] =	stream.indirect_vreg.gather [hbm4b:s5+s3], $0x80, v3, vm0, $0xb8;
	[tilespmem:$0x18800] =	vst v63  }
0x109: {  	s18 =	simm.s32 $0x15800  }
0x10a: {  	[tilespmem:s18], [sflag:$0x3] =	stream.indirect_vreg.gather [hbm4b:s6+s3], $0x80, v3, vm0, $0xb8;
	[tilespmem:$0x18800] =	vst v63  }
0x10b: {  	s19 =	simm.s32 $0x16000  }
0x10c: {  	[tilespmem:s19], [sflag:$0x3] =	stream.indirect_vreg.gather [hbm4b:s7+s3], $0x80, v3, vm0, $0xb8;
	[tilespmem:$0x18800] =	vst v63  }
0x10d: {  	s18 =	simm.s32 $0x16800  }
0x10e: {  	[tilespmem:s18], [sflag:$0x3] =	stream.indirect_vreg.gather [hbm4b:s8+s3], $0x80, v3, vm0, $0xb8;
	[tilespmem:$0x18800] =	vst v63  }
0x10f: {  	s19 =	simm.s32 $0x17000  }
0x110: {  	[tilespmem:s19], [sflag:$0x3] =	stream.indirect_vreg.gather [hbm4b:s9+s3], $0x80, v3, vm0, $0xb8;
	[tilespmem:$0x18800] =	vst v63  }
0x111: {  	s18 =	simm.s32 $0x17800  }
0x112: {  	[tilespmem:s18], [sflag:$0x3] =	stream.indirect_vreg.gather [hbm4b:s10+s3], $0x80, v3, vm0, $0xb8;
	[tilespmem:$0x18800] =	vst v63  }
0x113: {  	s19 =	simm.s32 $0x18000  }
0x114: {  	[tilespmem:s19], [sflag:$0x3] =	stream.indirect_vreg.gather [hbm4b:s11+s3], $0x80, v3, vm0, $0xb8;
	[tilespmem:$0x18800] =	vst v63  }
0x115: {  	_ =	swait.ge [sflag:s2], $0x8000  }
0x116: {  	[sflag:s2] =	ssyncset.done $0x0  }
0x117: {  	s19 =	simm.s32 $0x800;
	s4 =	rddreg [dreg:$0x7];
	[sflag:s2] =	ssyncadd.s32 $0xFFFF8000  }
0x118: {  	[hbm4b:s4+s3] =	stream.linear.scatter [tilespmem:s19], [sflag:$0x4], $0x8000, $0x38;
	[tilespmem:$0x18800] =	vst v63  }
0x119: {  	_ =	swait.ge [sflag:s0], $0x8000  }
0x11a: {  	[sflag:s0] =	ssyncset.done $0x0  }
0x11b: {  	[sflag:s0] =	ssyncadd.s32 $0xFFFF8000  }
0x11c: {  	v3 =	vld [tilespmem:$0x300];
	_ =	sdelay $0x4  }
0x11d: {  	v54 =	vshll.u32 v3, $0x4  }
0x11e: {  	v3 =	vand.u32 $0x7, v3;
	v4 =	vand.u32 $0xFFFFFF80, v54  }
0x11f: {  	v3 =	vor.u32 v3, v4  }
0x120: {  	v4 =	vperm.xlane v3, v0;
	_ =	sdelay $0x1  }
0x121: {  	v4 =	vadd.s32 v1, v4;
	_ =	sdelay $0x4  }
0x122: {  	[tilespmem:s19], [sflag:$0x1] =	stream.indirect_vreg.gather [hbm4b:s1+s3], $0x80, v4, vm0, $0xb8;
	[tilespmem:$0x18800] =	vst v63  }
0x123: {  	s19 =	simm.s32 $0x1000  }
0x124: {  	[tilespmem:s19], [sflag:$0x1] =	stream.indirect_vreg.gather [hbm4b:s5+s3], $0x80, v4, vm0, $0xb8;
	[tilespmem:$0x18800] =	vst v63  }
0x125: {  	s18 =	simm.s32 $0x1800  }
0x126: {  	[tilespmem:s18], [sflag:$0x1] =	stream.indirect_vreg.gather [hbm4b:s6+s3], $0x80, v4, vm0, $0xb8;
	[tilespmem:$0x18800] =	vst v63  }
0x127: {  	s19 =	simm.s32 $0x2000  }
0x128: {  	[tilespmem:s19], [sflag:$0x1] =	stream.indirect_vreg.gather [hbm4b:s7+s3], $0x80, v4, vm0, $0xb8;
	[tilespmem:$0x18800] =	vst v63  }
0x129: {  	s18 =	simm.s32 $0x2800  }
0x12a: {  	[tilespmem:s18], [sflag:$0x1] =	stream.indirect_vreg.gather [hbm4b:s8+s3], $0x80, v4, vm0, $0xb8;
	[tilespmem:$0x18800] =	vst v63  }
0x12b: {  	v3 =	vperm.xlane v3, v2;
	s19 =	simm.s32 $0x3000  }
0x12c: {  	[tilespmem:s19], [sflag:$0x1] =	stream.indirect_vreg.gather [hbm4b:s9+s3], $0x80, v4, vm0, $0xb8;
	[tilespmem:$0x18800] =	vst v63  }
0x12d: {  	v3 =	vadd.s32 v1, v3;
	s18 =	simm.s32 $0x3800  }
0x12e: {  	[tilespmem:s18], [sflag:$0x1] =	stream.indirect_vreg.gather [hbm4b:s10+s3], $0x80, v4, vm0, $0xb8;
	[tilespmem:$0x18800] =	vst v63  }
0x12f: {  	s19 =	simm.s32 $0x4000  }
0x130: {  	[tilespmem:s19], [sflag:$0x1] =	stream.indirect_vreg.gather [hbm4b:s11+s3], $0x80, v4, vm0, $0xb8;
	[tilespmem:$0x18800] =	vst v63  }
0x131: {  	s18 =	simm.s32 $0x4800  }
0x132: {  	[tilespmem:s18], [sflag:$0x1] =	stream.indirect_vreg.gather [hbm4b:s1+s3], $0x80, v3, vm0, $0xb8;
	[tilespmem:$0x18800] =	vst v63  }
0x133: {  	s19 =	simm.s32 $0x5000  }
0x134: {  	[tilespmem:s19], [sflag:$0x1] =	stream.indirect_vreg.gather [hbm4b:s5+s3], $0x80, v3, vm0, $0xb8;
	[tilespmem:$0x18800] =	vst v63  }
0x135: {  	s18 =	simm.s32 $0x5800  }
0x136: {  	[tilespmem:s18], [sflag:$0x1] =	stream.indirect_vreg.gather [hbm4b:s6+s3], $0x80, v3, vm0, $0xb8;
	[tilespmem:$0x18800] =	vst v63  }
0x137: {  	s19 =	simm.s32 $0x6000  }
0x138: {  	[tilespmem:s19], [sflag:$0x1] =	stream.indirect_vreg.gather [hbm4b:s7+s3], $0x80, v3, vm0, $0xb8;
	[tilespmem:$0x18800] =	vst v63  }
0x139: {  	s18 =	simm.s32 $0x6800  }
0x13a: {  	[tilespmem:s18], [sflag:$0x1] =	stream.indirect_vreg.gather [hbm4b:s8+s3], $0x80, v3, vm0, $0xb8;
	[tilespmem:$0x18800] =	vst v63  }
0x13b: {  	s19 =	simm.s32 $0x7000  }
0x13c: {  	[tilespmem:s19], [sflag:$0x1] =	stream.indirect_vreg.gather [hbm4b:s9+s3], $0x80, v3, vm0, $0xb8;
	[tilespmem:$0x18800] =	vst v63  }
0x13d: {  	s18 =	simm.s32 $0x7800  }
0x13e: {  	[tilespmem:s18], [sflag:$0x1] =	stream.indirect_vreg.gather [hbm4b:s10+s3], $0x80, v3, vm0, $0xb8;
	[tilespmem:$0x18800] =	vst v63  }
0x13f: {  	s19 =	simm.s32 $0x8000  }
0x140: {  	[tilespmem:s19], [sflag:$0x1] =	stream.indirect_vreg.gather [hbm4b:s11+s3], $0x80, v3, vm0, $0xb8;
	[tilespmem:$0x18800] =	vst v63  }
0x141: {  	_ =	swait.ge [sflag:s21], $0x8000  }
0x142: {  	[sflag:s21] =	ssyncset.done $0x0  }
0x143: {  	s19 =	simm.s32 $0x8800;
	s4 =	rddreg [dreg:$0x8];
	[sflag:s21] =	ssyncadd.s32 $0xFFFF8000  }
0x144: {  	[hbm4b:s4+s3] =	stream.linear.scatter [tilespmem:s19], [sflag:$0x5], $0x8000, $0x38;
	[tilespmem:$0x18800] =	vst v63  }
0x145: {  	_ =	swait.ge [sflag:s15], $0x8000  }
0x146: {  	[sflag:s15] =	ssyncset.done $0x0  }
0x147: {  	[sflag:s15] =	ssyncadd.s32 $0xFFFF8000  }
0x148: {  	v3 =	vld [tilespmem:$0x380];
	_ =	sdelay $0x4  }
0x149: {  	v55 =	vshll.u32 v3, $0x4  }
0x14a: {  	v3 =	vand.u32 $0x7, v3;
	v4 =	vand.u32 $0xFFFFFF80, v55  }
0x14b: {  	v3 =	vor.u32 v3, v4  }
0x14c: {  	v4 =	vperm.xlane v3, v0;
	_ =	sdelay $0x1  }
0x14d: {  	v4 =	vadd.s32 v1, v4;
	_ =	sdelay $0x4  }
0x14e: {  	[tilespmem:s19], [sflag:$0x2] =	stream.indirect_vreg.gather [hbm4b:s1+s3], $0x80, v4, vm0, $0xb8;
	[tilespmem:$0x18800] =	vst v63  }
0x14f: {  	s18 =	simm.s32 $0x9000  }
0x150: {  	[tilespmem:s18], [sflag:$0x2] =	stream.indirect_vreg.gather [hbm4b:s5+s3], $0x80, v4, vm0, $0xb8;
	[tilespmem:$0x18800] =	vst v63  }
0x151: {  	_ = 	snop  }
0x152: {  	[tilespmem:s23], [sflag:$0x2] =	stream.indirect_vreg.gather [hbm4b:s6+s3], $0x80, v4, vm0, $0xb8;
	[tilespmem:$0x18800] =	vst v63  }
0x153: {  	_ = 	snop  }
0x154: {  	[tilespmem:s24], [sflag:$0x2] =	stream.indirect_vreg.gather [hbm4b:s7+s3], $0x80, v4, vm0, $0xb8;
	[tilespmem:$0x18800] =	vst v63  }
0x155: {  	s18 =	simm.s32 $0xA800  }
0x156: {  	[tilespmem:s18], [sflag:$0x2] =	stream.indirect_vreg.gather [hbm4b:s8+s3], $0x80, v4, vm0, $0xb8;
	[tilespmem:$0x18800] =	vst v63  }
0x157: {  	v3 =	vperm.xlane v3, v2  }
0x158: {  	[tilespmem:s14], [sflag:$0x2] =	stream.indirect_vreg.gather [hbm4b:s9+s3], $0x80, v4, vm0, $0xb8;
	[tilespmem:$0x18800] =	vst v63  }
0x159: {  	v3 =	vadd.s32 v1, v3  }
0x15a: {  	[tilespmem:s25], [sflag:$0x2] =	stream.indirect_vreg.gather [hbm4b:s10+s3], $0x80, v4, vm0, $0xb8;
	[tilespmem:$0x18800] =	vst v63  }
0x15b: {  	_ = 	snop  }
0x15c: {  	[tilespmem:s26], [sflag:$0x2] =	stream.indirect_vreg.gather [hbm4b:s11+s3], $0x80, v4, vm0, $0xb8;
	[tilespmem:$0x18800] =	vst v63  }
0x15d: {  	_ = 	snop  }
0x15e: {  	[tilespmem:s28], [sflag:$0x2] =	stream.indirect_vreg.gather [hbm4b:s1+s3], $0x80, v3, vm0, $0xb8;
	[tilespmem:$0x18800] =	vst v63  }
0x15f: {  	_ = 	snop  }
0x160: {  	[tilespmem:s29], [sflag:$0x2] =	stream.indirect_vreg.gather [hbm4b:s5+s3], $0x80, v3, vm0, $0xb8;
	[tilespmem:$0x18800] =	vst v63  }
0x161: {  	_ = 	snop  }
0x162: {  	[tilespmem:s30], [sflag:$0x2] =	stream.indirect_vreg.gather [hbm4b:s6+s3], $0x80, v3, vm0, $0xb8;
	[tilespmem:$0x18800] =	vst v63  }
0x163: {  	_ = 	snop  }
0x164: {  	[tilespmem:s31], [sflag:$0x2] =	stream.indirect_vreg.gather [hbm4b:s7+s3], $0x80, v3, vm0, $0xb8;
	[tilespmem:$0x18800] =	vst v63  }
0x165: {  	_ = 	snop  }
0x166: {  	[tilespmem:s20], [sflag:$0x2] =	stream.indirect_vreg.gather [hbm4b:s8+s3], $0x80, v3, vm0, $0xb8;
	[tilespmem:$0x18800] =	vst v63  }
0x167: {  	_ = 	snop  }
0x168: {  	[tilespmem:s13], [sflag:$0x2] =	stream.indirect_vreg.gather [hbm4b:s9+s3], $0x80, v3, vm0, $0xb8;
	[tilespmem:$0x18800] =	vst v63  }
0x169: {  	_ = 	snop  }
0x16a: {  	[tilespmem:s22], [sflag:$0x2] =	stream.indirect_vreg.gather [hbm4b:s10+s3], $0x80, v3, vm0, $0xb8;
	[tilespmem:$0x18800] =	vst v63  }
0x16b: {  	_ = 	snop  }
0x16c: {  	[tilespmem:s12], [sflag:$0x2] =	stream.indirect_vreg.gather [hbm4b:s11+s3], $0x80, v3, vm0, $0xb8;
	[tilespmem:$0x18800] =	vst v63  }
0x16d: {  	_ =	swait.ge [sflag:s16], $0x8000  }
0x16e: {  	[sflag:s16] =	ssyncset.done $0x0  }
0x16f: {  	s23 =	simm.s32 $0x10800;
	s22 =	rddreg [dreg:$0x9];
	[sflag:s16] =	ssyncadd.s32 $0xFFFF8000  }
0x170: {  	[hbm4b:s22+s3] =	stream.linear.scatter [tilespmem:s23], [sflag:$0x6], $0x8000, $0x38;
	[tilespmem:$0x18800] =	vst v63  }
0x171: {  	_ =	swait.ge [sflag:s17], $0x8000  }
0x172: {  	[sflag:s17] =	ssyncset.done $0x0  }
0x173: {  	[sflag:s17] =	ssyncadd.s32 $0xFFFF8000  }
0x174: {  	v3 =	vld [tilespmem:$0x400];
	_ =	sdelay $0x4  }
0x175: {  	v56 =	vshll.u32 v3, $0x4  }
0x176: {  	v3 =	vand.u32 $0x7, v3;
	v4 =	vand.u32 $0xFFFFFF80, v56  }
0x177: {  	v3 =	vor.u32 v3, v4  }
0x178: {  	v4 =	vperm.xlane v3, v0;
	_ =	sdelay $0x1  }
0x179: {  	v4 =	vadd.s32 v1, v4;
	_ =	sdelay $0x4  }
0x17a: {  	[tilespmem:s23], [sflag:$0x3] =	stream.indirect_vreg.gather [hbm4b:s1+s3], $0x80, v4, vm0, $0xb8;
	[tilespmem:$0x18800] =	vst v63  }
0x17b: {  	s20 =	simm.s32 $0x11000  }
0x17c: {  	[tilespmem:s20], [sflag:$0x3] =	stream.indirect_vreg.gather [hbm4b:s5+s3], $0x80, v4, vm0, $0xb8;
	[tilespmem:$0x18800] =	vst v63  }
0x17d: {  	s24 =	simm.s32 $0x11800  }
0x17e: {  	[tilespmem:s24], [sflag:$0x3] =	stream.indirect_vreg.gather [hbm4b:s6+s3], $0x80, v4, vm0, $0xb8;
	[tilespmem:$0x18800] =	vst v63  }
0x17f: {  	s25 =	simm.s32 $0x12000  }
0x180: {  	[tilespmem:s25], [sflag:$0x3] =	stream.indirect_vreg.gather [hbm4b:s7+s3], $0x80, v4, vm0, $0xb8;
	[tilespmem:$0x18800] =	vst v63  }
0x181: {  	s26 =	simm.s32 $0x12800  }
0x182: {  	[tilespmem:s26], [sflag:$0x3] =	stream.indirect_vreg.gather [hbm4b:s8+s3], $0x80, v4, vm0, $0xb8;
	[tilespmem:$0x18800] =	vst v63  }
0x183: {  	s28 =	simm.s32 $0x13000;
	v3 =	vperm.xlane v3, v2  }
0x184: {  	[tilespmem:s28], [sflag:$0x3] =	stream.indirect_vreg.gather [hbm4b:s9+s3], $0x80, v4, vm0, $0xb8;
	[tilespmem:$0x18800] =	vst v63  }
0x185: {  	s29 =	simm.s32 $0x13800;
	v3 =	vadd.s32 v1, v3  }
0x186: {  	[tilespmem:s29], [sflag:$0x3] =	stream.indirect_vreg.gather [hbm4b:s10+s3], $0x80, v4, vm0, $0xb8;
	[tilespmem:$0x18800] =	vst v63  }
0x187: {  	s30 =	simm.s32 $0x14000  }
0x188: {  	[tilespmem:s30], [sflag:$0x3] =	stream.indirect_vreg.gather [hbm4b:s11+s3], $0x80, v4, vm0, $0xb8;
	[tilespmem:$0x18800] =	vst v63  }
0x189: {  	s31 =	simm.s32 $0x14800  }
0x18a: {  	[tilespmem:s31], [sflag:$0x3] =	stream.indirect_vreg.gather [hbm4b:s1+s3], $0x80, v3, vm0, $0xb8;
	[tilespmem:$0x18800] =	vst v63  }
0x18b: {  	s13 =	simm.s32 $0x15000  }
0x18c: {  	[tilespmem:s13], [sflag:$0x3] =	stream.indirect_vreg.gather [hbm4b:s5+s3], $0x80, v3, vm0, $0xb8;
	[tilespmem:$0x18800] =	vst v63  }
0x18d: {  	s14 =	simm.s32 $0x15800  }
0x18e: {  	[tilespmem:s14], [sflag:$0x3] =	stream.indirect_vreg.gather [hbm4b:s6+s3], $0x80, v3, vm0, $0xb8;
	[tilespmem:$0x18800] =	vst v63  }
0x18f: {  	s18 =	simm.s32 $0x16000  }
0x190: {  	[tilespmem:s18], [sflag:$0x3] =	stream.indirect_vreg.gather [hbm4b:s7+s3], $0x80, v3, vm0, $0xb8;
	[tilespmem:$0x18800] =	vst v63  }
0x191: {  	s22 =	simm.s32 $0x16800  }
0x192: {  	[tilespmem:s22], [sflag:$0x3] =	stream.indirect_vreg.gather [hbm4b:s8+s3], $0x80, v3, vm0, $0xb8;
	[tilespmem:$0x18800] =	vst v63  }
0x193: {  	s23 =	simm.s32 $0x17000  }
0x194: {  	[tilespmem:s23], [sflag:$0x3] =	stream.indirect_vreg.gather [hbm4b:s9+s3], $0x80, v3, vm0, $0xb8;
	[tilespmem:$0x18800] =	vst v63  }
0x195: {  	s24 =	simm.s32 $0x17800  }
0x196: {  	[tilespmem:s24], [sflag:$0x3] =	stream.indirect_vreg.gather [hbm4b:s10+s3], $0x80, v3, vm0, $0xb8;
	[tilespmem:$0x18800] =	vst v63  }
0x197: {  	s25 =	simm.s32 $0x18000  }
0x198: {  	[tilespmem:s25], [sflag:$0x3] =	stream.indirect_vreg.gather [hbm4b:s11+s3], $0x80, v3, vm0, $0xb8;
	[tilespmem:$0x18800] =	vst v63  }
0x199: {  	_ =	swait.ge [sflag:s2], $0x8000  }
0x19a: {  	[sflag:s2] =	ssyncset.done $0x0  }
0x19b: {  	s28 =	simm.s32 $0x800;
	s26 =	rddreg [dreg:$0xa];
	[sflag:s2] =	ssyncadd.s32 $0xFFFF8000  }
0x19c: {  	[hbm4b:s26+s3] =	stream.linear.scatter [tilespmem:s28], [sflag:$0x4], $0x8000, $0x38;
	[tilespmem:$0x18800] =	vst v63  }
0x19d: {  	_ =	swait.ge [sflag:s0], $0x8000  }
0x19e: {  	[sflag:s0] =	ssyncset.done $0x0  }
0x19f: {  	[sflag:s0] =	ssyncadd.s32 $0xFFFF8000  }
0x1a0: {  	v3 =	vld [tilespmem:$0x480];
	_ =	sdelay $0x4  }
0x1a1: {  	v57 =	vshll.u32 v3, $0x4  }
0x1a2: {  	v3 =	vand.u32 $0x7, v3;
	v4 =	vand.u32 $0xFFFFFF80, v57  }
0x1a3: {  	v3 =	vor.u32 v3, v4  }
0x1a4: {  	v4 =	vperm.xlane v3, v0;
	_ =	sdelay $0x1  }
0x1a5: {  	v4 =	vadd.s32 v1, v4;
	_ =	sdelay $0x4  }
0x1a6: {  	[tilespmem:s28], [sflag:$0x1] =	stream.indirect_vreg.gather [hbm4b:s1+s3], $0x80, v4, vm0, $0xb8;
	[tilespmem:$0x18800] =	vst v63  }
0x1a7: {  	s4 =	simm.s32 $0x1000  }
0x1a8: {  	[tilespmem:s4], [sflag:$0x1] =	stream.indirect_vreg.gather [hbm4b:s5+s3], $0x80, v4, vm0, $0xb8;
	[tilespmem:$0x18800] =	vst v63  }
0x1a9: {  	s29 =	simm.s32 $0x1800  }
0x1aa: {  	[tilespmem:s29], [sflag:$0x1] =	stream.indirect_vreg.gather [hbm4b:s6+s3], $0x80, v4, vm0, $0xb8;
	[tilespmem:$0x18800] =	vst v63  }
0x1ab: {  	s30 =	simm.s32 $0x2000  }
0x1ac: {  	[tilespmem:s30], [sflag:$0x1] =	stream.indirect_vreg.gather [hbm4b:s7+s3], $0x80, v4, vm0, $0xb8;
	[tilespmem:$0x18800] =	vst v63  }
0x1ad: {  	s29 =	simm.s32 $0x2800  }
0x1ae: {  	[tilespmem:s29], [sflag:$0x1] =	stream.indirect_vreg.gather [hbm4b:s8+s3], $0x80, v4, vm0, $0xb8;
	[tilespmem:$0x18800] =	vst v63  }
0x1af: {  	v3 =	vperm.xlane v3, v2;
	s30 =	simm.s32 $0x3000  }
0x1b0: {  	[tilespmem:s30], [sflag:$0x1] =	stream.indirect_vreg.gather [hbm4b:s9+s3], $0x80, v4, vm0, $0xb8;
	[tilespmem:$0x18800] =	vst v63  }
0x1b1: {  	s31 =	simm.s32 $0x3800;
	v3 =	vadd.s32 v1, v3  }
0x1b2: {  	[tilespmem:s31], [sflag:$0x1] =	stream.indirect_vreg.gather [hbm4b:s10+s3], $0x80, v4, vm0, $0xb8;
	[tilespmem:$0x18800] =	vst v63  }
0x1b3: {  	s13 =	simm.s32 $0x4000  }
0x1b4: {  	[tilespmem:s13], [sflag:$0x1] =	stream.indirect_vreg.gather [hbm4b:s11+s3], $0x80, v4, vm0, $0xb8;
	[tilespmem:$0x18800] =	vst v63  }
0x1b5: {  	s13 =	simm.s32 $0x4800  }
0x1b6: {  	[tilespmem:s13], [sflag:$0x1] =	stream.indirect_vreg.gather [hbm4b:s1+s3], $0x80, v3, vm0, $0xb8;
	[tilespmem:$0x18800] =	vst v63  }
0x1b7: {  	s22 =	simm.s32 $0x5000  }
0x1b8: {  	[tilespmem:s22], [sflag:$0x1] =	stream.indirect_vreg.gather [hbm4b:s5+s3], $0x80, v3, vm0, $0xb8;
	[tilespmem:$0x18800] =	vst v63  }
0x1b9: {  	s23 =	simm.s32 $0x5800  }
0x1ba: {  	[tilespmem:s23], [sflag:$0x1] =	stream.indirect_vreg.gather [hbm4b:s6+s3], $0x80, v3, vm0, $0xb8;
	[tilespmem:$0x18800] =	vst v63  }
0x1bb: {  	s24 =	simm.s32 $0x6000  }
0x1bc: {  	[tilespmem:s24], [sflag:$0x1] =	stream.indirect_vreg.gather [hbm4b:s7+s3], $0x80, v3, vm0, $0xb8;
	[tilespmem:$0x18800] =	vst v63  }
0x1bd: {  	s25 =	simm.s32 $0x6800  }
0x1be: {  	[tilespmem:s25], [sflag:$0x1] =	stream.indirect_vreg.gather [hbm4b:s8+s3], $0x80, v3, vm0, $0xb8;
	[tilespmem:$0x18800] =	vst v63  }
0x1bf: {  	s26 =	simm.s32 $0x7000  }
0x1c0: {  	[tilespmem:s26], [sflag:$0x1] =	stream.indirect_vreg.gather [hbm4b:s9+s3], $0x80, v3, vm0, $0xb8;
	[tilespmem:$0x18800] =	vst v63  }
0x1c1: {  	s28 =	simm.s32 $0x7800  }
0x1c2: {  	[tilespmem:s28], [sflag:$0x1] =	stream.indirect_vreg.gather [hbm4b:s10+s3], $0x80, v3, vm0, $0xb8;
	[tilespmem:$0x18800] =	vst v63  }
0x1c3: {  	s31 =	simm.s32 $0x8000  }
0x1c4: {  	[tilespmem:s31], [sflag:$0x1] =	stream.indirect_vreg.gather [hbm4b:s11+s3], $0x80, v3, vm0, $0xb8;
	[tilespmem:$0x18800] =	vst v63  }
0x1c5: {  	_ =	swait.ge [sflag:s21], $0x8000  }
0x1c6: {  	[sflag:s21] =	ssyncset.done $0x0  }
0x1c7: {  	s19 =	simm.s32 $0x8800;
	s14 =	rddreg [dreg:$0xb];
	[sflag:s21] =	ssyncadd.s32 $0xFFFF8000  }
0x1c8: {  	[hbm4b:s14+s3] =	stream.linear.scatter [tilespmem:s19], [sflag:$0x5], $0x8000, $0x38;
	[tilespmem:$0x18800] =	vst v63  }
0x1c9: {  	_ =	swait.ge [sflag:s15], $0x8000  }
0x1ca: {  	[sflag:s15] =	ssyncset.done $0x0  }
0x1cb: {  	[sflag:s15] =	ssyncadd.s32 $0xFFFF8000  }
0x1cc: {  	v3 =	vld [tilespmem:$0x500];
	_ =	sdelay $0x4  }
0x1cd: {  	v58 =	vshll.u32 v3, $0x4  }
0x1ce: {  	v3 =	vand.u32 $0x7, v3;
	v4 =	vand.u32 $0xFFFFFF80, v58  }
0x1cf: {  	v3 =	vor.u32 v3, v4  }
0x1d0: {  	v4 =	vperm.xlane v3, v0;
	_ =	sdelay $0x1  }
0x1d1: {  	v4 =	vadd.s32 v1, v4;
	_ =	sdelay $0x4  }
0x1d2: {  	[tilespmem:s19], [sflag:$0x2] =	stream.indirect_vreg.gather [hbm4b:s1+s3], $0x80, v4, vm0, $0xb8;
	[tilespmem:$0x18800] =	vst v63  }
0x1d3: {  	s18 =	simm.s32 $0x9000  }
0x1d4: {  	[tilespmem:s18], [sflag:$0x2] =	stream.indirect_vreg.gather [hbm4b:s5+s3], $0x80, v4, vm0, $0xb8;
	[tilespmem:$0x18800] =	vst v63  }
0x1d5: {  	s19 =	simm.s32 $0x9800  }
0x1d6: {  	[tilespmem:s19], [sflag:$0x2] =	stream.indirect_vreg.gather [hbm4b:s6+s3], $0x80, v4, vm0, $0xb8;
	[tilespmem:$0x18800] =	vst v63  }
0x1d7: {  	s18 =	simm.s32 $0xA000  }
0x1d8: {  	[tilespmem:s18], [sflag:$0x2] =	stream.indirect_vreg.gather [hbm4b:s7+s3], $0x80, v4, vm0, $0xb8;
	[tilespmem:$0x18800] =	vst v63  }
0x1d9: {  	s19 =	simm.s32 $0xA800  }
0x1da: {  	[tilespmem:s19], [sflag:$0x2] =	stream.indirect_vreg.gather [hbm4b:s8+s3], $0x80, v4, vm0, $0xb8;
	[tilespmem:$0x18800] =	vst v63  }
0x1db: {  	v3 =	vperm.xlane v3, v2;
	s18 =	simm.s32 $0xB000  }
0x1dc: {  	[tilespmem:s18], [sflag:$0x2] =	stream.indirect_vreg.gather [hbm4b:s9+s3], $0x80, v4, vm0, $0xb8;
	[tilespmem:$0x18800] =	vst v63  }
0x1dd: {  	v3 =	vadd.s32 v1, v3;
	s19 =	simm.s32 $0xB800  }
0x1de: {  	[tilespmem:s19], [sflag:$0x2] =	stream.indirect_vreg.gather [hbm4b:s10+s3], $0x80, v4, vm0, $0xb8;
	[tilespmem:$0x18800] =	vst v63  }
0x1df: {  	s18 =	simm.s32 $0xC000  }
0x1e0: {  	[tilespmem:s18], [sflag:$0x2] =	stream.indirect_vreg.gather [hbm4b:s11+s3], $0x80, v4, vm0, $0xb8;
	[tilespmem:$0x18800] =	vst v63  }
0x1e1: {  	s19 =	simm.s32 $0xC800  }
0x1e2: {  	[tilespmem:s19], [sflag:$0x2] =	stream.indirect_vreg.gather [hbm4b:s1+s3], $0x80, v3, vm0, $0xb8;
	[tilespmem:$0x18800] =	vst v63  }
0x1e3: {  	s18 =	simm.s32 $0xD000  }
0x1e4: {  	[tilespmem:s18], [sflag:$0x2] =	stream.indirect_vreg.gather [hbm4b:s5+s3], $0x80, v3, vm0, $0xb8;
	[tilespmem:$0x18800] =	vst v63  }
0x1e5: {  	s19 =	simm.s32 $0xD800  }
0x1e6: {  	[tilespmem:s19], [sflag:$0x2] =	stream.indirect_vreg.gather [hbm4b:s6+s3], $0x80, v3, vm0, $0xb8;
	[tilespmem:$0x18800] =	vst v63  }
0x1e7: {  	s18 =	simm.s32 $0xE000  }
0x1e8: {  	[tilespmem:s18], [sflag:$0x2] =	stream.indirect_vreg.gather [hbm4b:s7+s3], $0x80, v3, vm0, $0xb8;
	[tilespmem:$0x18800] =	vst v63  }
0x1e9: {  	s19 =	simm.s32 $0xE800  }
0x1ea: {  	[tilespmem:s19], [sflag:$0x2] =	stream.indirect_vreg.gather [hbm4b:s8+s3], $0x80, v3, vm0, $0xb8;
	[tilespmem:$0x18800] =	vst v63  }
0x1eb: {  	s18 =	simm.s32 $0xF000  }
0x1ec: {  	[tilespmem:s18], [sflag:$0x2] =	stream.indirect_vreg.gather [hbm4b:s9+s3], $0x80, v3, vm0, $0xb8;
	[tilespmem:$0x18800] =	vst v63  }
0x1ed: {  	s19 =	simm.s32 $0xF800  }
0x1ee: {  	[tilespmem:s19], [sflag:$0x2] =	stream.indirect_vreg.gather [hbm4b:s10+s3], $0x80, v3, vm0, $0xb8;
	[tilespmem:$0x18800] =	vst v63  }
0x1ef: {  	s18 =	simm.s32 $0x10000  }
0x1f0: {  	[tilespmem:s18], [sflag:$0x2] =	stream.indirect_vreg.gather [hbm4b:s11+s3], $0x80, v3, vm0, $0xb8;
	[tilespmem:$0x18800] =	vst v63  }
0x1f1: {  	_ =	swait.ge [sflag:s16], $0x8000  }
0x1f2: {  	[sflag:s16] =	ssyncset.done $0x0  }
0x1f3: {  	s12 =	simm.s32 $0x10800;
	s19 =	rddreg [dreg:$0xc];
	[sflag:s16] =	ssyncadd.s32 $0xFFFF8000  }
0x1f4: {  	[hbm4b:s19+s3] =	stream.linear.scatter [tilespmem:s12], [sflag:$0x6], $0x8000, $0x38;
	[tilespmem:$0x18800] =	vst v63  }
0x1f5: {  	_ =	swait.ge [sflag:s17], $0x8000  }
0x1f6: {  	[sflag:s17] =	ssyncset.done $0x0  }
0x1f7: {  	[sflag:s17] =	ssyncadd.s32 $0xFFFF8000  }
0x1f8: {  	v3 =	vld [tilespmem:$0x580];
	_ =	sdelay $0x4  }
0x1f9: {  	v59 =	vshll.u32 v3, $0x4  }
0x1fa: {  	v3 =	vand.u32 $0x7, v3;
	v4 =	vand.u32 $0xFFFFFF80, v59  }
0x1fb: {  	v3 =	vor.u32 v3, v4  }
0x1fc: {  	v4 =	vperm.xlane v3, v0;
	_ =	sdelay $0x1  }
0x1fd: {  	v4 =	vadd.s32 v1, v4;
	_ =	sdelay $0x4  }
0x1fe: {  	[tilespmem:s12], [sflag:$0x3] =	stream.indirect_vreg.gather [hbm4b:s1+s3], $0x80, v4, vm0, $0xb8;
	[tilespmem:$0x18800] =	vst v63  }
0x1ff: {  	_ = 	snop  }
0x200: {  	[tilespmem:s20], [sflag:$0x3] =	stream.indirect_vreg.gather [hbm4b:s5+s3], $0x80, v4, vm0, $0xb8;
	[tilespmem:$0x18800] =	vst v63  }
0x201: {  	s14 =	simm.s32 $0x11800  }
0x202: {  	[tilespmem:s14], [sflag:$0x3] =	stream.indirect_vreg.gather [hbm4b:s6+s3], $0x80, v4, vm0, $0xb8;
	[tilespmem:$0x18800] =	vst v63  }
0x203: {  	s18 =	simm.s32 $0x12000  }
0x204: {  	[tilespmem:s18], [sflag:$0x3] =	stream.indirect_vreg.gather [hbm4b:s7+s3], $0x80, v4, vm0, $0xb8;
	[tilespmem:$0x18800] =	vst v63  }
0x205: {  	s19 =	simm.s32 $0x12800  }
0x206: {  	[tilespmem:s19], [sflag:$0x3] =	stream.indirect_vreg.gather [hbm4b:s8+s3], $0x80, v4, vm0, $0xb8;
	[tilespmem:$0x18800] =	vst v63  }
0x207: {  	v3 =	vperm.xlane v3, v2;
	s20 =	simm.s32 $0x13000  }
0x208: {  	[tilespmem:s20], [sflag:$0x3] =	stream.indirect_vreg.gather [hbm4b:s9+s3], $0x80, v4, vm0, $0xb8;
	[tilespmem:$0x18800] =	vst v63  }
0x209: {  	v3 =	vadd.s32 v1, v3;
	s14 =	simm.s32 $0x13800  }
0x20a: {  	[tilespmem:s14], [sflag:$0x3] =	stream.indirect_vreg.gather [hbm4b:s10+s3], $0x80, v4, vm0, $0xb8;
	[tilespmem:$0x18800] =	vst v63  }
0x20b: {  	s18 =	simm.s32 $0x14000  }
0x20c: {  	[tilespmem:s18], [sflag:$0x3] =	stream.indirect_vreg.gather [hbm4b:s11+s3], $0x80, v4, vm0, $0xb8;
	[tilespmem:$0x18800] =	vst v63  }
0x20d: {  	s19 =	simm.s32 $0x14800  }
0x20e: {  	[tilespmem:s19], [sflag:$0x3] =	stream.indirect_vreg.gather [hbm4b:s1+s3], $0x80, v3, vm0, $0xb8;
	[tilespmem:$0x18800] =	vst v63  }
0x20f: {  	s20 =	simm.s32 $0x15000  }
0x210: {  	[tilespmem:s20], [sflag:$0x3] =	stream.indirect_vreg.gather [hbm4b:s5+s3], $0x80, v3, vm0, $0xb8;
	[tilespmem:$0x18800] =	vst v63  }
0x211: {  	s14 =	simm.s32 $0x15800  }
0x212: {  	[tilespmem:s14], [sflag:$0x3] =	stream.indirect_vreg.gather [hbm4b:s6+s3], $0x80, v3, vm0, $0xb8;
	[tilespmem:$0x18800] =	vst v63  }
0x213: {  	s18 =	simm.s32 $0x16000  }
0x214: {  	[tilespmem:s18], [sflag:$0x3] =	stream.indirect_vreg.gather [hbm4b:s7+s3], $0x80, v3, vm0, $0xb8;
	[tilespmem:$0x18800] =	vst v63  }
0x215: {  	s19 =	simm.s32 $0x16800  }
0x216: {  	[tilespmem:s19], [sflag:$0x3] =	stream.indirect_vreg.gather [hbm4b:s8+s3], $0x80, v3, vm0, $0xb8;
	[tilespmem:$0x18800] =	vst v63  }
0x217: {  	s20 =	simm.s32 $0x17000  }
0x218: {  	[tilespmem:s20], [sflag:$0x3] =	stream.indirect_vreg.gather [hbm4b:s9+s3], $0x80, v3, vm0, $0xb8;
	[tilespmem:$0x18800] =	vst v63  }
0x219: {  	s14 =	simm.s32 $0x17800  }
0x21a: {  	[tilespmem:s14], [sflag:$0x3] =	stream.indirect_vreg.gather [hbm4b:s10+s3], $0x80, v3, vm0, $0xb8;
	[tilespmem:$0x18800] =	vst v63  }
0x21b: {  	s18 =	simm.s32 $0x18000  }
0x21c: {  	[tilespmem:s18], [sflag:$0x3] =	stream.indirect_vreg.gather [hbm4b:s11+s3], $0x80, v3, vm0, $0xb8;
	[tilespmem:$0x18800] =	vst v63  }
0x21d: {  	_ =	swait.ge [sflag:s2], $0x8000  }
0x21e: {  	[sflag:s2] =	ssyncset.done $0x0  }
0x21f: {  	s20 =	simm.s32 $0x800;
	s19 =	rddreg [dreg:$0xd];
	[sflag:s2] =	ssyncadd.s32 $0xFFFF8000  }
0x220: {  	[hbm4b:s19+s3] =	stream.linear.scatter [tilespmem:s20], [sflag:$0x4], $0x8000, $0x38;
	[tilespmem:$0x18800] =	vst v63  }
0x221: {  	_ =	swait.ge [sflag:s0], $0x8000  }
0x222: {  	[sflag:s0] =	ssyncset.done $0x0  }
0x223: {  	[sflag:s0] =	ssyncadd.s32 $0xFFFF8000  }
0x224: {  	v3 =	vld [tilespmem:$0x600];
	_ =	sdelay $0x4  }
0x225: {  	v60 =	vshll.u32 v3, $0x4  }
0x226: {  	v3 =	vand.u32 $0x7, v3;
	v4 =	vand.u32 $0xFFFFFF80, v60  }
0x227: {  	v3 =	vor.u32 v3, v4  }
0x228: {  	v4 =	vperm.xlane v3, v0;
	_ =	sdelay $0x1  }
0x229: {  	v4 =	vadd.s32 v1, v4;
	_ =	sdelay $0x4  }
0x22a: {  	[tilespmem:s20], [sflag:$0x1] =	stream.indirect_vreg.gather [hbm4b:s1+s3], $0x80, v4, vm0, $0xb8;
	[tilespmem:$0x18800] =	vst v63  }
0x22b: {  	_ = 	snop  }
0x22c: {  	[tilespmem:s4], [sflag:$0x1] =	stream.indirect_vreg.gather [hbm4b:s5+s3], $0x80, v4, vm0, $0xb8;
	[tilespmem:$0x18800] =	vst v63  }
0x22d: {  	s4 =	simm.s32 $0x1800  }
0x22e: {  	[tilespmem:s4], [sflag:$0x1] =	stream.indirect_vreg.gather [hbm4b:s6+s3], $0x80, v4, vm0, $0xb8;
	[tilespmem:$0x18800] =	vst v63  }
0x22f: {  	s18 =	simm.s32 $0x2000  }
0x230: {  	[tilespmem:s18], [sflag:$0x1] =	stream.indirect_vreg.gather [hbm4b:s7+s3], $0x80, v4, vm0, $0xb8;
	[tilespmem:$0x18800] =	vst v63  }
0x231: {  	_ = 	snop  }
0x232: {  	[tilespmem:s29], [sflag:$0x1] =	stream.indirect_vreg.gather [hbm4b:s8+s3], $0x80, v4, vm0, $0xb8;
	[tilespmem:$0x18800] =	vst v63  }
0x233: {  	v3 =	vperm.xlane v3, v2  }
0x234: {  	[tilespmem:s30], [sflag:$0x1] =	stream.indirect_vreg.gather [hbm4b:s9+s3], $0x80, v4, vm0, $0xb8;
	[tilespmem:$0x18800] =	vst v63  }
0x235: {  	s19 =	simm.s32 $0x3800;
	v3 =	vadd.s32 v1, v3  }
0x236: {  	[tilespmem:s19], [sflag:$0x1] =	stream.indirect_vreg.gather [hbm4b:s10+s3], $0x80, v4, vm0, $0xb8;
	[tilespmem:$0x18800] =	vst v63  }
0x237: {  	s20 =	simm.s32 $0x4000  }
0x238: {  	[tilespmem:s20], [sflag:$0x1] =	stream.indirect_vreg.gather [hbm4b:s11+s3], $0x80, v4, vm0, $0xb8;
	[tilespmem:$0x18800] =	vst v63  }
0x239: {  	_ = 	snop  }
0x23a: {  	[tilespmem:s13], [sflag:$0x1] =	stream.indirect_vreg.gather [hbm4b:s1+s3], $0x80, v3, vm0, $0xb8;
	[tilespmem:$0x18800] =	vst v63  }
0x23b: {  	_ = 	snop  }
0x23c: {  	[tilespmem:s22], [sflag:$0x1] =	stream.indirect_vreg.gather [hbm4b:s5+s3], $0x80, v3, vm0, $0xb8;
	[tilespmem:$0x18800] =	vst v63  }
0x23d: {  	_ = 	snop  }
0x23e: {  	[tilespmem:s23], [sflag:$0x1] =	stream.indirect_vreg.gather [hbm4b:s6+s3], $0x80, v3, vm0, $0xb8;
	[tilespmem:$0x18800] =	vst v63  }
0x23f: {  	_ = 	snop  }
0x240: {  	[tilespmem:s24], [sflag:$0x1] =	stream.indirect_vreg.gather [hbm4b:s7+s3], $0x80, v3, vm0, $0xb8;
	[tilespmem:$0x18800] =	vst v63  }
0x241: {  	_ = 	snop  }
0x242: {  	[tilespmem:s25], [sflag:$0x1] =	stream.indirect_vreg.gather [hbm4b:s8+s3], $0x80, v3, vm0, $0xb8;
	[tilespmem:$0x18800] =	vst v63  }
0x243: {  	_ = 	snop  }
0x244: {  	[tilespmem:s26], [sflag:$0x1] =	stream.indirect_vreg.gather [hbm4b:s9+s3], $0x80, v3, vm0, $0xb8;
	[tilespmem:$0x18800] =	vst v63  }
0x245: {  	_ = 	snop  }
0x246: {  	[tilespmem:s28], [sflag:$0x1] =	stream.indirect_vreg.gather [hbm4b:s10+s3], $0x80, v3, vm0, $0xb8;
	[tilespmem:$0x18800] =	vst v63  }
0x247: {  	_ = 	snop  }
0x248: {  	[tilespmem:s31], [sflag:$0x1] =	stream.indirect_vreg.gather [hbm4b:s11+s3], $0x80, v3, vm0, $0xb8;
	[tilespmem:$0x18800] =	vst v63  }
0x249: {  	_ =	swait.ge [sflag:s21], $0x8000  }
0x24a: {  	[sflag:s21] =	ssyncset.done $0x0  }
0x24b: {  	s13 =	simm.s32 $0x8800;
	s4 =	rddreg [dreg:$0xe];
	[sflag:s21] =	ssyncadd.s32 $0xFFFF8000  }
0x24c: {  	[hbm4b:s4+s3] =	stream.linear.scatter [tilespmem:s13], [sflag:$0x5], $0x8000, $0x38;
	[tilespmem:$0x18800] =	vst v63  }
0x24d: {  	_ =	swait.ge [sflag:s15], $0x8000  }
0x24e: {  	[sflag:s15] =	ssyncset.done $0x0  }
0x24f: {  	[sflag:s15] =	ssyncadd.s32 $0xFFFF8000  }
0x250: {  	v3 =	vld [tilespmem:$0x680];
	_ =	sdelay $0x4  }
0x251: {  	v61 =	vshll.u32 v3, $0x4  }
0x252: {  	v3 =	vand.u32 $0x7, v3;
	v4 =	vand.u32 $0xFFFFFF80, v61  }
0x253: {  	v3 =	vor.u32 v3, v4  }
0x254: {  	v4 =	vperm.xlane v3, v0;
	_ =	sdelay $0x1  }
0x255: {  	v4 =	vadd.s32 v1, v4;
	_ =	sdelay $0x4  }
0x256: {  	[tilespmem:s13], [sflag:$0x2] =	stream.indirect_vreg.gather [hbm4b:s1+s3], $0x80, v4, vm0, $0xb8;
	[tilespmem:$0x18800] =	vst v63  }
0x257: {  	s18 =	simm.s32 $0x9000  }
0x258: {  	[tilespmem:s18], [sflag:$0x2] =	stream.indirect_vreg.gather [hbm4b:s5+s3], $0x80, v4, vm0, $0xb8;
	[tilespmem:$0x18800] =	vst v63  }
0x259: {  	s18 =	simm.s32 $0x9800  }
0x25a: {  	[tilespmem:s18], [sflag:$0x2] =	stream.indirect_vreg.gather [hbm4b:s6+s3], $0x80, v4, vm0, $0xb8;
	[tilespmem:$0x18800] =	vst v63  }
0x25b: {  	s18 =	simm.s32 $0xA000  }
0x25c: {  	[tilespmem:s18], [sflag:$0x2] =	stream.indirect_vreg.gather [hbm4b:s7+s3], $0x80, v4, vm0, $0xb8;
	[tilespmem:$0x18800] =	vst v63  }
0x25d: {  	s18 =	simm.s32 $0xA800  }
0x25e: {  	[tilespmem:s18], [sflag:$0x2] =	stream.indirect_vreg.gather [hbm4b:s8+s3], $0x80, v4, vm0, $0xb8;
	[tilespmem:$0x18800] =	vst v63  }
0x25f: {  	v3 =	vperm.xlane v3, v2;
	s18 =	simm.s32 $0xB000  }
0x260: {  	[tilespmem:s18], [sflag:$0x2] =	stream.indirect_vreg.gather [hbm4b:s9+s3], $0x80, v4, vm0, $0xb8;
	[tilespmem:$0x18800] =	vst v63  }
0x261: {  	v3 =	vadd.s32 v1, v3;
	s18 =	simm.s32 $0xB800  }
0x262: {  	[tilespmem:s18], [sflag:$0x2] =	stream.indirect_vreg.gather [hbm4b:s10+s3], $0x80, v4, vm0, $0xb8;
	[tilespmem:$0x18800] =	vst v63  }
0x263: {  	s18 =	simm.s32 $0xC000  }
0x264: {  	[tilespmem:s18], [sflag:$0x2] =	stream.indirect_vreg.gather [hbm4b:s11+s3], $0x80, v4, vm0, $0xb8;
	[tilespmem:$0x18800] =	vst v63  }
0x265: {  	s18 =	simm.s32 $0xC800  }
0x266: {  	[tilespmem:s18], [sflag:$0x2] =	stream.indirect_vreg.gather [hbm4b:s1+s3], $0x80, v3, vm0, $0xb8;
	[tilespmem:$0x18800] =	vst v63  }
0x267: {  	s18 =	simm.s32 $0xD000  }
0x268: {  	[tilespmem:s18], [sflag:$0x2] =	stream.indirect_vreg.gather [hbm4b:s5+s3], $0x80, v3, vm0, $0xb8;
	[tilespmem:$0x18800] =	vst v63  }
0x269: {  	s18 =	simm.s32 $0xD800  }
0x26a: {  	[tilespmem:s18], [sflag:$0x2] =	stream.indirect_vreg.gather [hbm4b:s6+s3], $0x80, v3, vm0, $0xb8;
	[tilespmem:$0x18800] =	vst v63  }
0x26b: {  	s18 =	simm.s32 $0xE000  }
0x26c: {  	[tilespmem:s18], [sflag:$0x2] =	stream.indirect_vreg.gather [hbm4b:s7+s3], $0x80, v3, vm0, $0xb8;
	[tilespmem:$0x18800] =	vst v63  }
0x26d: {  	s18 =	simm.s32 $0xE800  }
0x26e: {  	[tilespmem:s18], [sflag:$0x2] =	stream.indirect_vreg.gather [hbm4b:s8+s3], $0x80, v3, vm0, $0xb8;
	[tilespmem:$0x18800] =	vst v63  }
0x26f: {  	s18 =	simm.s32 $0xF000  }
0x270: {  	[tilespmem:s18], [sflag:$0x2] =	stream.indirect_vreg.gather [hbm4b:s9+s3], $0x80, v3, vm0, $0xb8;
	[tilespmem:$0x18800] =	vst v63  }
0x271: {  	s18 =	simm.s32 $0xF800  }
0x272: {  	[tilespmem:s18], [sflag:$0x2] =	stream.indirect_vreg.gather [hbm4b:s10+s3], $0x80, v3, vm0, $0xb8;
	[tilespmem:$0x18800] =	vst v63  }
0x273: {  	s18 =	simm.s32 $0x10000  }
0x274: {  	[tilespmem:s18], [sflag:$0x2] =	stream.indirect_vreg.gather [hbm4b:s11+s3], $0x80, v3, vm0, $0xb8;
	[tilespmem:$0x18800] =	vst v63  }
0x275: {  	_ =	swait.ge [sflag:s16], $0x8000  }
0x276: {  	[sflag:s16] =	ssyncset.done $0x0  }
0x277: {  	s13 =	simm.s32 $0x10800;
	s18 =	rddreg [dreg:$0xf];
	[sflag:s16] =	ssyncadd.s32 $0xFFFF8000  }
0x278: {  	[hbm4b:s18+s3] =	stream.linear.scatter [tilespmem:s13], [sflag:$0x6], $0x8000, $0x38;
	[tilespmem:$0x18800] =	vst v63  }
0x279: {  	_ =	swait.ge [sflag:s17], $0x8000  }
0x27a: {  	[sflag:s17] =	ssyncset.done $0x0  }
0x27b: {  	[sflag:s17] =	ssyncadd.s32 $0xFFFF8000  }
0x27c: {  	v3 =	vld [tilespmem:$0x700];
	_ =	sdelay $0x4  }
0x27d: {  	v62 =	vshll.u32 v3, $0x4  }
0x27e: {  	v3 =	vand.u32 $0x7, v3;
	v4 =	vand.u32 $0xFFFFFF80, v62  }
0x27f: {  	v3 =	vor.u32 v3, v4  }
0x280: {  	v4 =	vperm.xlane v3, v0;
	_ =	sdelay $0x1  }
0x281: {  	v4 =	vadd.s32 v1, v4;
	_ =	sdelay $0x4  }
0x282: {  	[tilespmem:s13], [sflag:$0x3] =	stream.indirect_vreg.gather [hbm4b:s1+s3], $0x80, v4, vm0, $0xb8;
	[tilespmem:$0x18800] =	vst v63  }
0x283: {  	s18 =	simm.s32 $0x11000  }
0x284: {  	[tilespmem:s18], [sflag:$0x3] =	stream.indirect_vreg.gather [hbm4b:s5+s3], $0x80, v4, vm0, $0xb8;
	[tilespmem:$0x18800] =	vst v63  }
0x285: {  	s18 =	simm.s32 $0x11800  }
0x286: {  	[tilespmem:s18], [sflag:$0x3] =	stream.indirect_vreg.gather [hbm4b:s6+s3], $0x80, v4, vm0, $0xb8;
	[tilespmem:$0x18800] =	vst v63  }
0x287: {  	s18 =	simm.s32 $0x12000  }
0x288: {  	[tilespmem:s18], [sflag:$0x3] =	stream.indirect_vreg.gather [hbm4b:s7+s3], $0x80, v4, vm0, $0xb8;
	[tilespmem:$0x18800] =	vst v63  }
0x289: {  	s18 =	simm.s32 $0x12800  }
0x28a: {  	[tilespmem:s18], [sflag:$0x3] =	stream.indirect_vreg.gather [hbm4b:s8+s3], $0x80, v4, vm0, $0xb8;
	[tilespmem:$0x18800] =	vst v63  }
0x28b: {  	v3 =	vperm.xlane v3, v2;
	s18 =	simm.s32 $0x13000  }
0x28c: {  	[tilespmem:s18], [sflag:$0x3] =	stream.indirect_vreg.gather [hbm4b:s9+s3], $0x80, v4, vm0, $0xb8;
	[tilespmem:$0x18800] =	vst v63  }
0x28d: {  	v3 =	vadd.s32 v1, v3;
	s18 =	simm.s32 $0x13800  }
0x28e: {  	[tilespmem:s18], [sflag:$0x3] =	stream.indirect_vreg.gather [hbm4b:s10+s3], $0x80, v4, vm0, $0xb8;
	[tilespmem:$0x18800] =	vst v63  }
0x28f: {  	s18 =	simm.s32 $0x14000  }
0x290: {  	[tilespmem:s18], [sflag:$0x3] =	stream.indirect_vreg.gather [hbm4b:s11+s3], $0x80, v4, vm0, $0xb8;
	[tilespmem:$0x18800] =	vst v63  }
0x291: {  	s18 =	simm.s32 $0x14800  }
0x292: {  	[tilespmem:s18], [sflag:$0x3] =	stream.indirect_vreg.gather [hbm4b:s1+s3], $0x80, v3, vm0, $0xb8;
	[tilespmem:$0x18800] =	vst v63  }
0x293: {  	s18 =	simm.s32 $0x15000  }
0x294: {  	[tilespmem:s18], [sflag:$0x3] =	stream.indirect_vreg.gather [hbm4b:s5+s3], $0x80, v3, vm0, $0xb8;
	[tilespmem:$0x18800] =	vst v63  }
0x295: {  	s18 =	simm.s32 $0x15800  }
0x296: {  	[tilespmem:s18], [sflag:$0x3] =	stream.indirect_vreg.gather [hbm4b:s6+s3], $0x80, v3, vm0, $0xb8;
	[tilespmem:$0x18800] =	vst v63  }
0x297: {  	s18 =	simm.s32 $0x16000  }
0x298: {  	[tilespmem:s18], [sflag:$0x3] =	stream.indirect_vreg.gather [hbm4b:s7+s3], $0x80, v3, vm0, $0xb8;
	[tilespmem:$0x18800] =	vst v63  }
0x299: {  	s18 =	simm.s32 $0x16800  }
0x29a: {  	[tilespmem:s18], [sflag:$0x3] =	stream.indirect_vreg.gather [hbm4b:s8+s3], $0x80, v3, vm0, $0xb8;
	[tilespmem:$0x18800] =	vst v63  }
0x29b: {  	s18 =	simm.s32 $0x17000  }
0x29c: {  	[tilespmem:s18], [sflag:$0x3] =	stream.indirect_vreg.gather [hbm4b:s9+s3], $0x80, v3, vm0, $0xb8;
	[tilespmem:$0x18800] =	vst v63  }
0x29d: {  	s18 =	simm.s32 $0x17800  }
0x29e: {  	[tilespmem:s18], [sflag:$0x3] =	stream.indirect_vreg.gather [hbm4b:s10+s3], $0x80, v3, vm0, $0xb8;
	[tilespmem:$0x18800] =	vst v63  }
0x29f: {  	s18 =	simm.s32 $0x18000  }
0x2a0: {  	[tilespmem:s18], [sflag:$0x3] =	stream.indirect_vreg.gather [hbm4b:s11+s3], $0x80, v3, vm0, $0xb8;
	[tilespmem:$0x18800] =	vst v63  }
0x2a1: {  	_ =	swait.ge [sflag:s2], $0x8000  }
0x2a2: {  	[sflag:s2] =	ssyncset.done $0x0  }
0x2a3: {  	s14 =	simm.s32 $0x800;
	s18 =	rddreg [dreg:$0x10];
	[sflag:s2] =	ssyncadd.s32 $0xFFFF8000  }
0x2a4: {  	[hbm4b:s18+s3] =	stream.linear.scatter [tilespmem:s14], [sflag:$0x4], $0x8000, $0x38;
	[tilespmem:$0x18800] =	vst v63  }
0x2a5: {  	_ =	swait.ge [sflag:s0], $0x8000  }
0x2a6: {  	[sflag:s0] =	ssyncset.done $0x0  }
0x2a7: {  	[sflag:s0] =	ssyncadd.s32 $0xFFFF8000  }
0x2a8: {  	v3 =	vld [tilespmem:$0x780];
	_ =	sdelay $0x4  }
0x2a9: {  	v63 =	vshll.u32 v3, $0x4  }
0x2aa: {  	v3 =	vand.u32 $0x7, v3;
	v4 =	vand.u32 $0xFFFFFF80, v63  }
0x2ab: {  	v3 =	vor.u32 v3, v4  }
0x2ac: {  	v4 =	vperm.xlane v3, v0;
	_ =	sdelay $0x1  }
0x2ad: {  	v4 =	vadd.s32 v1, v4;
	_ =	sdelay $0x4  }
0x2ae: {  	[tilespmem:s14], [sflag:$0x1] =	stream.indirect_vreg.gather [hbm4b:s1+s3], $0x80, v4, vm0, $0xb8;
	[tilespmem:$0x18800] =	vst v63  }
0x2af: {  	s18 =	simm.s32 $0x1000  }
0x2b0: {  	[tilespmem:s18], [sflag:$0x1] =	stream.indirect_vreg.gather [hbm4b:s5+s3], $0x80, v4, vm0, $0xb8;
	[tilespmem:$0x18800] =	vst v63  }
0x2b1: {  	s12 =	simm.s32 $0x1800  }
0x2b2: {  	[tilespmem:s12], [sflag:$0x1] =	stream.indirect_vreg.gather [hbm4b:s6+s3], $0x80, v4, vm0, $0xb8;
	[tilespmem:$0x18800] =	vst v63  }
0x2b3: {  	s18 =	simm.s32 $0x2000  }
0x2b4: {  	[tilespmem:s18], [sflag:$0x1] =	stream.indirect_vreg.gather [hbm4b:s7+s3], $0x80, v4, vm0, $0xb8;
	[tilespmem:$0x18800] =	vst v63  }
0x2b5: {  	s29 =	simm.s32 $0x2800  }
0x2b6: {  	[tilespmem:s29], [sflag:$0x1] =	stream.indirect_vreg.gather [hbm4b:s8+s3], $0x80, v4, vm0, $0xb8;
	[tilespmem:$0x18800] =	vst v63  }
0x2b7: {  	s30 =	simm.s32 $0x3000;
	v3 =	vperm.xlane v3, v2  }
0x2b8: {  	[tilespmem:s30], [sflag:$0x1] =	stream.indirect_vreg.gather [hbm4b:s9+s3], $0x80, v4, vm0, $0xb8;
	[tilespmem:$0x18800] =	vst v63  }
0x2b9: {  	s19 =	simm.s32 $0x3800;
	v3 =	vadd.s32 v1, v3  }
0x2ba: {  	[tilespmem:s19], [sflag:$0x1] =	stream.indirect_vreg.gather [hbm4b:s10+s3], $0x80, v4, vm0, $0xb8;
	[tilespmem:$0x18800] =	vst v63  }
0x2bb: {  	s20 =	simm.s32 $0x4000  }
0x2bc: {  	[tilespmem:s20], [sflag:$0x1] =	stream.indirect_vreg.gather [hbm4b:s11+s3], $0x80, v4, vm0, $0xb8;
	[tilespmem:$0x18800] =	vst v63  }
0x2bd: {  	s20 =	simm.s32 $0x4800  }
0x2be: {  	[tilespmem:s20], [sflag:$0x1] =	stream.indirect_vreg.gather [hbm4b:s1+s3], $0x80, v3, vm0, $0xb8;
	[tilespmem:$0x18800] =	vst v63  }
0x2bf: {  	s22 =	simm.s32 $0x5000  }
0x2c0: {  	[tilespmem:s22], [sflag:$0x1] =	stream.indirect_vreg.gather [hbm4b:s5+s3], $0x80, v3, vm0, $0xb8;
	[tilespmem:$0x18800] =	vst v63  }
0x2c1: {  	s23 =	simm.s32 $0x5800  }
0x2c2: {  	[tilespmem:s23], [sflag:$0x1] =	stream.indirect_vreg.gather [hbm4b:s6+s3], $0x80, v3, vm0, $0xb8;
	[tilespmem:$0x18800] =	vst v63  }
0x2c3: {  	s24 =	simm.s32 $0x6000  }
0x2c4: {  	[tilespmem:s24], [sflag:$0x1] =	stream.indirect_vreg.gather [hbm4b:s7+s3], $0x80, v3, vm0, $0xb8;
	[tilespmem:$0x18800] =	vst v63  }
0x2c5: {  	s25 =	simm.s32 $0x6800  }
0x2c6: {  	[tilespmem:s25], [sflag:$0x1] =	stream.indirect_vreg.gather [hbm4b:s8+s3], $0x80, v3, vm0, $0xb8;
	[tilespmem:$0x18800] =	vst v63  }
0x2c7: {  	s26 =	simm.s32 $0x7000  }
0x2c8: {  	[tilespmem:s26], [sflag:$0x1] =	stream.indirect_vreg.gather [hbm4b:s9+s3], $0x80, v3, vm0, $0xb8;
	[tilespmem:$0x18800] =	vst v63  }
0x2c9: {  	s28 =	simm.s32 $0x7800  }
0x2ca: {  	[tilespmem:s28], [sflag:$0x1] =	stream.indirect_vreg.gather [hbm4b:s10+s3], $0x80, v3, vm0, $0xb8;
	[tilespmem:$0x18800] =	vst v63  }
0x2cb: {  	s31 =	simm.s32 $0x8000  }
0x2cc: {  	[tilespmem:s31], [sflag:$0x1] =	stream.indirect_vreg.gather [hbm4b:s11+s3], $0x80, v3, vm0, $0xb8;
	[tilespmem:$0x18800] =	vst v63  }
0x2cd: {  	_ =	swait.ge [sflag:s21], $0x8000  }
0x2ce: {  	[sflag:s21] =	ssyncset.done $0x0  }
0x2cf: {  	s4 =	simm.s32 $0x8800;
	s28 =	rddreg [dreg:$0x11];
	[sflag:s21] =	ssyncadd.s32 $0xFFFF8000  }
0x2d0: {  	[hbm4b:s28+s3] =	stream.linear.scatter [tilespmem:s4], [sflag:$0x5], $0x8000, $0x38;
	[tilespmem:$0x18800] =	vst v63  }
0x2d1: {  	_ =	swait.ge [sflag:s15], $0x8000  }
0x2d2: {  	[sflag:s15] =	ssyncset.done $0x0  }
0x2d3: {  	[sflag:s15] =	ssyncadd.s32 $0xFFFF8000  }
0x2d4: {  	_ =	swait.ge [sflag:s16], $0x8000  }
0x2d5: {  	[sflag:s16] =	ssyncset.done $0x0  }
0x2d6: {  	s13 =	simm.s32 $0x10800;
	s29 =	rddreg [dreg:$0x12];
	[sflag:s16] =	ssyncadd.s32 $0xFFFF8000  }
0x2d7: {  	[hbm4b:s29+s3] =	stream.linear.scatter [tilespmem:s13], [sflag:$0x6], $0x8000, $0x38;
	[tilespmem:$0x18800] =	vst v63  }
0x2d8: {  	_ =	swait.ge [sflag:s17], $0x8000  }
0x2d9: {  	[sflag:s17] =	ssyncset.done $0x0  }
0x2da: {  	[sflag:s17] =	ssyncadd.s32 $0xFFFF8000  }
0x2db: {  	_ =	swait.ge [sflag:s2], $0x8000  }
0x2dc: {  	s31 =	rddreg [dreg:$0x15]  }
0x2dd: {  	[sflag:s2] =	ssyncset.done $0x0;
	p0 =	sne.s32 s31, $0x1  }
.Ltmp0:
0x2de: {  	s30 =	rddreg [dreg:$0x13];
	[sflag:s2] =	ssyncadd.s32 $0xFFFF8000;
	(pc) =	sbr.rel @p0 .LBB2_1-.Ltmp0, $4  }
0x2df: {  	[hbm4b:s30+s3] =	stream.linear.scatter [tilespmem:s14], [sflag:$0x4], $0x8000, $0x38;
	[tilespmem:$0x18800] =	vst v63  }
0x2e0: {  	_ =	swait.ge [sflag:s0], $0x8000  }
0x2e1: {  	[sflag:s0] =	ssyncset.done $0x0  }
0x2e2: {  	s12 =	sadd.s32 $0xFFFFFFFF, s31;
	[sflag:s0] =	ssyncadd.s32 $0xFFFF8000  }
0x2e3: {  	_ =	sfence.sel $0x180000  }
0x2e4: {  	[bflag:$0x0] =	sbarrier.arrive $0xFFFF  }
0x2e5: {  	_ =	strace $0x90000047  }
0x2e6: {  	s0 =	stileid.u32;
	[bflag:$0x2] =	sbarrier.arrive $0xFFFF  }
0x2e7: {  	p0 =	sne.s32 s0, $0x0;
	s0 =	rddreg [dreg:$0x3]  }
0x2e8: {  	s0 =	sadd.s32 @!p0 $0x100000, s0  }
0x2e9: {  	[sflag:s0] =	ssyncadd.tile.s32 @!p0 $0x1;
	_ =	shalt  }
.Lfunc_end2:
_tile_overlayer_lowered:
.L_overlay_start_2:
0x2ea: {  	(tag) =	ssettag $0x2  }
0x2eb: {  	s0 =	rddreg [dreg:$0x0];
	s2 =	stileid.u32  }
0x2ec: {  	s1 =	rddreg [dreg:$0x1];
	p0 =	sne.s32 s2, $0x0  }
0x2ed: {  	s3 =	rddreg [dreg:$0x2];
	[bflag:$0x3] =	sbarrier.arrive $0xFFFF;
	s2 =	simm.s32 @!p0 $0x1C07  }
0x2ee: {  	[timem:s3], [sflag:s2] =	dma.local @!p0 [hbm:s0], s1  }
0x2ef: {  	s0 =	simm.s32 @!p0 $0x7  }
0x2f0: {  	_ =	swait.ge @!p0 [sflag:s0], s1  }
0x2f1: {  	s1 =	ssub.s32 @!p0 $0x0, s1;
	[sflag:s0] =	ssyncset.done @!p0 $0x0  }
0x2f2: {  	[sflag:s0] =	ssyncadd.s32 @!p0 s1  }
0x2f3: {  	[bflag:$0x3] =	sbarrier.arrive $0xFFFF  }
0x2f4: {  	_ =	shalt  }

</sc_bundles>
